<compile_context>
chip_gen: v7x
topology: tpu7x:2x2x1
jax: 0.10.2.dev20260603
libtpu: 0.0.44.dev20260713+nightly
codegen_flags: <defaults>
</compile_context>

<pallas_src>
import functools

import jax
import jax.numpy as jnp
from jax import lax
from jax.experimental import pallas as pl
from jax.experimental.pallas import tpu as pltpu
from jax.experimental.pallas import tpu_sc as plsc

DIM = 32
BAG = 20
BC = 64
ROWS = BAG * BC
IDX_MINOR = 128
IDX_ROWS = ROWS // IDX_MINOR


NCH = 800


@functools.partial(jax.jit, static_argnums=(1, 2, 3))
def _sc_transpose(wt, N, T, num_workers):
    units = T * (N // NCH)
    upw = -(-units // num_workers)
    mesh = plsc.VectorSubcoreMesh(core_axis_name="c", subcore_axis_name="s")

    @functools.partial(
        pl.kernel,
        mesh=mesh,
        compiler_params=pltpu.CompilerParams(
            use_tc_tiling_on_sc=False, needs_layout_passes=False
        ),
        out_type=jax.ShapeDtypeStruct((T * N, DIM), jnp.float32),
        scratch_types=[
            pltpu.VMEM((2, DIM, NCH), jnp.float32),
            pltpu.VMEM((2, NCH, DIM + 1), jnp.float32),
            pltpu.SemaphoreType.DMA,
            pltpu.SemaphoreType.DMA,
            pltpu.SemaphoreType.DMA,
            pltpu.SemaphoreType.DMA,
        ],
    )
    def k(wt_hbm, out_hbm, slab_v, tr_v, sem0, sem1, osem0, osem1):
        sems = (sem0, sem1)
        osems = (osem0, osem1)
        wid = lax.axis_index("s") * 2 + lax.axis_index("c")
        u0 = wid * upw
        nchunks = N // NCH
        lane = jax.lax.iota(jnp.int32, 16)
        cols = [jnp.full((16,), d, jnp.int32) for d in range(DIM)]

        def start(u, b):
            t = u // nchunks
            n0 = (u % nchunks) * NCH
            pltpu.async_copy(
                wt_hbm.at[t, :, pl.ds(n0, NCH)], slab_v.at[b], sems[b]
            )

        def wait(b):
            pltpu.make_async_copy(
                wt_hbm.at[0, :, pl.ds(0, NCH)], slab_v.at[b], sems[b]
            ).wait()

        def owait(b):
            pltpu.make_async_copy(
                tr_v.at[b, :, pl.ds(0, DIM)],
                out_hbm.at[pl.ds(0, NCH), :],
                osems[b],
            ).wait()

        def process(u, b):
            @pl.when(u >= u0 + 2)
            def _():
                owait(b)

            def grp(g, carry):
                rows = lane + g * 16
                for d0 in range(0, DIM, 16):
                    vs = [slab_v[b, d, pl.ds(g * 16, 16)] for d in range(d0, d0 + 16)]
                    for i, d in enumerate(range(d0, d0 + 16)):
                        plsc.store_scatter(tr_v.at[b], [rows, cols[d]], vs[i])
                return carry

            lax.fori_loop(0, NCH // 16, grp, 0)
            t = u // nchunks
            n0 = (u % nchunks) * NCH
            pltpu.async_copy(
                tr_v.at[b, :, pl.ds(0, DIM)],
                out_hbm.at[pl.ds(t * N + n0, NCH), :],
                osems[b],
            )

        @pl.when(u0 < units)
        def _():
            start(u0, 0)

        def pair_body(g, carry):
            for bpar in range(2):
                u = u0 + 2 * g + bpar
                nxt = 1 - bpar

                @pl.when(u + 1 < jnp.minimum(u0 + upw, units))
                def _():
                    start(u + 1, nxt)

                @pl.when(u < units)
                def _():
                    wait(bpar)
                    process(u, bpar)
            return carry

        lax.fori_loop(0, upw // 2, pair_body, 0)

        owait(0)
        owait(1)

    return k(wt)


@functools.partial(jax.jit, static_argnums=(2, 3, 4, 5))
def _sc_lookup(table, idx_t, N, T, B, num_workers):
    units_per_worker = (T * B // BC) // num_workers
    mesh = plsc.VectorSubcoreMesh(core_axis_name="c", subcore_axis_name="s")

    @functools.partial(
        pl.kernel,
        mesh=mesh,
        compiler_params=pltpu.CompilerParams(
            use_tc_tiling_on_sc=False, needs_layout_passes=False
        ),
        out_type=jax.ShapeDtypeStruct((T, DIM, B), jnp.float32),
        scratch_types=[
            pltpu.VMEM((2, BAG, BC), jnp.int32),
            pltpu.VMEM((2, IDX_ROWS, IDX_MINOR), jnp.int32),
            pltpu.VMEM((2, ROWS, DIM), jnp.float32),
            pltpu.VMEM((2, DIM, BC + 1), jnp.float32),
            pltpu.SemaphoreType.DMA,
            pltpu.SemaphoreType.DMA,
            pltpu.SemaphoreType.DMA,
            pltpu.SemaphoreType.DMA,
        ],
    )
    def k(table_hbm, idx_hbm, out_hbm, idx_v, flat_v, rows_v, out_v, sem0, sem1, osem0, osem1):
        table2d = table_hbm
        sems = (sem0, sem1)
        osems = (osem0, osem1)
        wid = lax.axis_index("s") * 2 + lax.axis_index("c")
        b0s = (wid * 2 * BC, (wid * 2 + 1) * BC)

        def start(t, sub, b):
            pltpu.sync_copy(idx_hbm.at[t, :, pl.ds(b0s[sub], BC)], idx_v.at[b])
            for kk in range(ROWS // 16):
                v = idx_v[b, kk // 4, pl.ds((kk % 4) * 16, 16)]
                flat_v[b, kk // 8, pl.ds((kk % 8) * 16, 16)] = v + t * N
            for j in range(IDX_ROWS):
                pltpu.async_copy(
                    table2d.at[flat_v.at[b, j]],
                    rows_v.at[b, pl.ds(j * IDX_MINOR, IDX_MINOR)],
                    sems[b],
                )

        def wait(b):
            for j in range(IDX_ROWS):
                pltpu.make_async_copy(
                    table2d.at[flat_v.at[b, j]],
                    rows_v.at[b, pl.ds(j * IDX_MINOR, IDX_MINOR)],
                    sems[b],
                ).wait()

        lane = jax.lax.iota(jnp.int32, 16)
        row_lo = lane
        row_hi = lane + 16

        def owait(b):
            pltpu.make_async_copy(
                out_v.at[b, :, pl.ds(0, BC)],
                out_hbm.at[0, :, pl.ds(0, BC)],
                osems[b],
            ).wait()

        def reduce_store(u, t, sub, b):
            @pl.when(u >= 2)
            def _():
                owait(b)

            def bag_body(bag, carry):
                a0 = rows_v[b, bag, pl.ds(0, 16)]
                a1 = rows_v[b, bag, pl.ds(16, 16)]
                for l in range(1, BAG):
                    a0 = a0 + rows_v[b, bag + l * BC, pl.ds(0, 16)]
                    a1 = a1 + rows_v[b, bag + l * BC, pl.ds(16, 16)]
                col = jnp.full((16,), 0, jnp.int32) + bag
                plsc.store_scatter(out_v.at[b], [row_lo, col], a0)
                plsc.store_scatter(out_v.at[b], [row_hi, col], a1)
                return carry

            lax.fori_loop(0, BC, bag_body, 0)
            pltpu.async_copy(
                out_v.at[b, :, pl.ds(0, BC)],
                out_hbm.at[t, :, pl.ds(b0s[sub], BC)],
                osems[b],
            )

        start(0, 0, 0)

        def pair_body(g, carry):
            for bpar in range(2):
                u = 2 * g + bpar
                nxt = 1 - bpar

                @pl.when(u + 1 < units_per_worker)
                def _():
                    start(g + bpar, nxt, nxt)

                wait(bpar)
                reduce_store(u, g, bpar, bpar)
            return carry

        lax.fori_loop(0, units_per_worker // 2, pair_body, 0)
        owait(0)
        owait(1)

    return k(table, idx_t)


def kernel(embedding_weights, sharded_sparse_features):
    N, T, D = embedding_weights.shape
    B, _, L = sharded_sparse_features.shape
    wt = embedding_weights.transpose(1, 2, 0)
    table = _sc_transpose(wt, N, T, 32)
    idx_t = sharded_sparse_features.astype(jnp.int32).transpose(1, 2, 0)
    out = _sc_lookup(table, idx_t, N, T, B, 32)
    return out.transpose(2, 0, 1)

# --- scband reference (transcript-rebuilt; emitter-appended) ---
"""Pipeline reference for scband-uniform-sharded-embedding-bags-16149077033312 (READ-ONLY COPY).

The authoritative reference and input builder live on the scoring server;
editing this copy changes nothing except your own understanding.
"""

import jax, jax.numpy as jnp
import numpy as np

NUM_TABLES = 26
NUM_EMBEDDINGS = 100000
EMBEDDING_DIM = 32
BATCH = 4096
BAG_SIZE = 20


def setup_inputs(seed: int = 0) -> dict:
    key = jax.random.key(seed)
    k_w, k_idx = jax.random.split(key)
    embedding_weights = jax.random.normal(
        k_w, (NUM_EMBEDDINGS, NUM_TABLES, EMBEDDING_DIM), dtype=jnp.float32
    )
    sharded_sparse_features = jax.random.randint(
        k_idx, (BATCH, NUM_TABLES, BAG_SIZE), 0, NUM_EMBEDDINGS, dtype=jnp.int64
    )
    return {
        "embedding_weights": embedding_weights,
        "sharded_sparse_features": sharded_sparse_features,
    }


def reference(embedding_weights, sharded_sparse_features):
    # embedding_weights: [N, T, D]; sharded_sparse_features: [B, T, L]
    # For each table t, gather rows weights[idx[b, t, l], t, :] and sum-pool over bag dim L.
    T = embedding_weights.shape[1]
    table_idx = jnp.arange(T, dtype=sharded_sparse_features.dtype)[None, :, None]  # [1, T, 1]
    gathered = embedding_weights[sharded_sparse_features, table_idx]  # [B, T, L, D]
    pooled = gathered.sum(axis=2)  # [B, T, D]
    return pooled

if __name__ == "__main__":
    import jax
    _d = setup_inputs()
    print(jax.jit(kernel)(*tuple(_d.values())))

</pallas_src>

<mosaic_0001>
#map = affine_map<(d0, d1) -> (0, 0, 0)>
#map1 = affine_map<(d0, d1) -> (0, 0)>
module attributes {stable_mosaic.version = 14 : i64} {
  func.func @k(%arg0: i32, %arg1: i32, %arg2: memref<26x32x100000xf32, #tpu.memory_space<hbm>>, %arg3: memref<2600000x32xf32, #tpu.memory_space<hbm>>, %arg4: memref<2x32x800xf32, #tpu.memory_space<vmem>>, %arg5: memref<2x800x33xf32, #tpu.memory_space<vmem>>, %arg6: memref<!tpu.dma_semaphore, #tpu.memory_space<semaphore_mem>>, %arg7: memref<!tpu.dma_semaphore, #tpu.memory_space<semaphore_mem>>, %arg8: memref<!tpu.dma_semaphore, #tpu.memory_space<semaphore_mem>>, %arg9: memref<!tpu.dma_semaphore, #tpu.memory_space<semaphore_mem>>) attributes {dimension_semantics = [#tpu.dimension_semantics<core_parallel>, #tpu.dimension_semantics<subcore_parallel>], iteration_bounds = array<i64: 2, 16>, scalar_prefetch = 0 : i64, scratch_operands = 6 : i64, tpu.core_type = #tpu.core_type<sc_vector_subcore>, window_params = [{transform_indices = #map}, {transform_indices = #map1}]} {
    %mul3A = arith.constant 2 : i32
    %mul3A_0 = arith.muli %arg1, %mul3A : i32
    %add3A = arith.addi %mul3A_0, %arg0 : i32
    %mul3A_1 = arith.constant 102 : i32
    %mul3A_2 = arith.muli %add3A, %mul3A_1 : i32
    %iota3A = tpu.iota {dimensions = array<i32: 0>} : vector<16xi32>
    %broadcast_in_dim3A = arith.constant 0 : i32
    %broadcast_in_dim3A_3 = vector.broadcast %broadcast_in_dim3A : i32 to vector<16xi32>
    %broadcast_in_dim3A_4 = arith.constant 1 : i32
    %broadcast_in_dim3A_5 = vector.broadcast %broadcast_in_dim3A_4 : i32 to vector<16xi32>
    %broadcast_in_dim3A_6 = arith.constant 2 : i32
    %broadcast_in_dim3A_7 = vector.broadcast %broadcast_in_dim3A_6 : i32 to vector<16xi32>
    %broadcast_in_dim3A_8 = arith.constant 3 : i32
    %broadcast_in_dim3A_9 = vector.broadcast %broadcast_in_dim3A_8 : i32 to vector<16xi32>
    %broadcast_in_dim3A_10 = arith.constant 4 : i32
    %broadcast_in_dim3A_11 = vector.broadcast %broadcast_in_dim3A_10 : i32 to vector<16xi32>
    %broadcast_in_dim3A_12 = arith.constant 5 : i32
    %broadcast_in_dim3A_13 = vector.broadcast %broadcast_in_dim3A_12 : i32 to vector<16xi32>
    %broadcast_in_dim3A_14 = arith.constant 6 : i32
    %broadcast_in_dim3A_15 = vector.broadcast %broadcast_in_dim3A_14 : i32 to vector<16xi32>
    %broadcast_in_dim3A_16 = arith.constant 7 : i32
    %broadcast_in_dim3A_17 = vector.broadcast %broadcast_in_dim3A_16 : i32 to vector<16xi32>
    %broadcast_in_dim3A_18 = arith.constant 8 : i32
    %broadcast_in_dim3A_19 = vector.broadcast %broadcast_in_dim3A_18 : i32 to vector<16xi32>
    %broadcast_in_dim3A_20 = arith.constant 9 : i32
    %broadcast_in_dim3A_21 = vector.broadcast %broadcast_in_dim3A_20 : i32 to vector<16xi32>
    %broadcast_in_dim3A_22 = arith.constant 10 : i32
    %broadcast_in_dim3A_23 = vector.broadcast %broadcast_in_dim3A_22 : i32 to vector<16xi32>
    %broadcast_in_dim3A_24 = arith.constant 11 : i32
    %broadcast_in_dim3A_25 = vector.broadcast %broadcast_in_dim3A_24 : i32 to vector<16xi32>
    %broadcast_in_dim3A_26 = arith.constant 12 : i32
    %broadcast_in_dim3A_27 = vector.broadcast %broadcast_in_dim3A_26 : i32 to vector<16xi32>
    %broadcast_in_dim3A_28 = arith.constant 13 : i32
    %broadcast_in_dim3A_29 = vector.broadcast %broadcast_in_dim3A_28 : i32 to vector<16xi32>
    %broadcast_in_dim3A_30 = arith.constant 14 : i32
    %broadcast_in_dim3A_31 = vector.broadcast %broadcast_in_dim3A_30 : i32 to vector<16xi32>
    %broadcast_in_dim3A_32 = arith.constant 15 : i32
    %broadcast_in_dim3A_33 = vector.broadcast %broadcast_in_dim3A_32 : i32 to vector<16xi32>
    %broadcast_in_dim3A_34 = arith.constant 16 : i32
    %broadcast_in_dim3A_35 = vector.broadcast %broadcast_in_dim3A_34 : i32 to vector<16xi32>
    %broadcast_in_dim3A_36 = arith.constant 17 : i32
    %broadcast_in_dim3A_37 = vector.broadcast %broadcast_in_dim3A_36 : i32 to vector<16xi32>
    %broadcast_in_dim3A_38 = arith.constant 18 : i32
    %broadcast_in_dim3A_39 = vector.broadcast %broadcast_in_dim3A_38 : i32 to vector<16xi32>
    %broadcast_in_dim3A_40 = arith.constant 19 : i32
    %broadcast_in_dim3A_41 = vector.broadcast %broadcast_in_dim3A_40 : i32 to vector<16xi32>
    %broadcast_in_dim3A_42 = arith.constant 20 : i32
    %broadcast_in_dim3A_43 = vector.broadcast %broadcast_in_dim3A_42 : i32 to vector<16xi32>
    %broadcast_in_dim3A_44 = arith.constant 21 : i32
    %broadcast_in_dim3A_45 = vector.broadcast %broadcast_in_dim3A_44 : i32 to vector<16xi32>
    %broadcast_in_dim3A_46 = arith.constant 22 : i32
    %broadcast_in_dim3A_47 = vector.broadcast %broadcast_in_dim3A_46 : i32 to vector<16xi32>
    %broadcast_in_dim3A_48 = arith.constant 23 : i32
    %broadcast_in_dim3A_49 = vector.broadcast %broadcast_in_dim3A_48 : i32 to vector<16xi32>
    %broadcast_in_dim3A_50 = arith.constant 24 : i32
    %broadcast_in_dim3A_51 = vector.broadcast %broadcast_in_dim3A_50 : i32 to vector<16xi32>
    %broadcast_in_dim3A_52 = arith.constant 25 : i32
    %broadcast_in_dim3A_53 = vector.broadcast %broadcast_in_dim3A_52 : i32 to vector<16xi32>
    %broadcast_in_dim3A_54 = arith.constant 26 : i32
    %broadcast_in_dim3A_55 = vector.broadcast %broadcast_in_dim3A_54 : i32 to vector<16xi32>
    %broadcast_in_dim3A_56 = arith.constant 27 : i32
    %broadcast_in_dim3A_57 = vector.broadcast %broadcast_in_dim3A_56 : i32 to vector<16xi32>
    %broadcast_in_dim3A_58 = arith.constant 28 : i32
    %broadcast_in_dim3A_59 = vector.broadcast %broadcast_in_dim3A_58 : i32 to vector<16xi32>
    %broadcast_in_dim3A_60 = arith.constant 29 : i32
    %broadcast_in_dim3A_61 = vector.broadcast %broadcast_in_dim3A_60 : i32 to vector<16xi32>
    %broadcast_in_dim3A_62 = arith.constant 30 : i32
    %broadcast_in_dim3A_63 = vector.broadcast %broadcast_in_dim3A_62 : i32 to vector<16xi32>
    %broadcast_in_dim3A_64 = arith.constant 31 : i32
    %broadcast_in_dim3A_65 = vector.broadcast %broadcast_in_dim3A_64 : i32 to vector<16xi32>
    %lt3A = arith.constant 3250 : i32
    %lt3A_66 = arith.cmpi slt, %mul3A_2, %lt3A : i32
    %convert_element_type3A = arith.extui %lt3A_66 : i1 to i32
    %cond3A = arith.constant 0 : i32
    %cond3A_67 = arith.cmpi ne, %convert_element_type3A, %cond3A : i32
    scf.if %cond3A_67 {
      %jit3A = arith.constant 125 : i32
      %div3A = arith.divsi %mul3A_2, %jit3A : i32
      %sign3A = arith.constant 0 : i32
      %sign3A_102 = arith.cmpi sgt, %mul3A_2, %sign3A : i32
      %sign3A_103 = arith.extui %sign3A_102 : i1 to i32
      %sign3A_104 = arith.constant 0 : i32
      %sign3A_105 = arith.cmpi slt, %mul3A_2, %sign3A_104 : i32
      %sign3A_106 = arith.extui %sign3A_105 : i1 to i32
      %sign3A_107 = arith.subi %sign3A_103, %sign3A_106 : i32
      %sign3A_108 = arith.constant 0 : i32
      %sign3A_109 = arith.cmpi sgt, %jit3A, %sign3A_108 : i32
      %sign3A_110 = arith.extui %sign3A_109 : i1 to i32
      %sign3A_111 = arith.constant 0 : i32
      %sign3A_112 = arith.cmpi slt, %jit3A, %sign3A_111 : i32
      %sign3A_113 = arith.extui %sign3A_112 : i1 to i32
      %sign3A_114 = arith.subi %sign3A_110, %sign3A_113 : i32
      %ne3A = arith.cmpi ne, %sign3A_107, %sign3A_114 : i32
      %rem3A = arith.remsi %mul3A_2, %jit3A : i32
      %ne3A_115 = arith.constant 0 : i32
      %ne3A_116 = arith.cmpi ne, %rem3A, %ne3A_115 : i32
      %and3A = arith.andi %ne3A, %ne3A_116 : i1
      %sub3A = arith.constant 1 : i32
      %sub3A_117 = arith.subi %div3A, %sub3A : i32
      %select_n3A = arith.select %and3A, %sub3A_117, %div3A : i32
      %jit3A_118 = arith.constant 125 : i32
      %eq3A = arith.constant 0 : i32
      %eq3A_119 = arith.cmpi eq, %jit3A_118, %eq3A : i32
      %jit3A_120 = arith.constant 1 : i32
      %select_n3A_121 = arith.select %eq3A_119, %jit3A_120, %jit3A_118 : i32
      %rem3A_122 = arith.remsi %mul3A_2, %select_n3A_121 : i32
      %ne3A_123 = arith.constant 0 : i32
      %ne3A_124 = arith.cmpi ne, %rem3A_122, %ne3A_123 : i32
      %lt3A_125 = arith.constant 0 : i32
      %lt3A_126 = arith.cmpi slt, %rem3A_122, %lt3A_125 : i32
      %lt3A_127 = arith.constant 0 : i32
      %lt3A_128 = arith.cmpi slt, %select_n3A_121, %lt3A_127 : i32
      %ne3A_129 = arith.xori %lt3A_126, %lt3A_128 : i1
      %and3A_130 = arith.andi %ne3A_129, %ne3A_124 : i1
      %add3A_131 = arith.addi %rem3A_122, %select_n3A_121 : i32
      %select_n3A_132 = arith.select %and3A_130, %add3A_131, %rem3A_122 : i32
      %mul3A_133 = arith.constant 800 : i32
      %mul3A_134 = arith.muli %select_n3A_132, %mul3A_133 : i32
      %dma_start3A = arith.constant 0 : i32
      %dma_start3A_135 = arith.constant 0 : i32
      %dma_start3A_136 = arith.constant 0 : i32
      %dma_start3A_137 = tpu.memref_slice %arg4[%dma_start3A, %dma_start3A_135, %dma_start3A_136] : memref<2x32x800xf32, #tpu.memory_space<vmem>> -> memref<1x32x800xf32, #tpu.memory_space<vmem>>
      %dma_start3A_138 = tpu.memref_squeeze %dma_start3A_137 : memref<1x32x800xf32, #tpu.memory_space<vmem>> -> memref<32x800xf32, #tpu.memory_space<vmem>>
      %dma_start3A_139 = arith.constant 0 : i32
      %dma_start3A_140 = tpu.memref_slice %arg2[%select_n3A, %dma_start3A_139, %mul3A_134] : memref<26x32x100000xf32, #tpu.memory_space<hbm>> -> memref<1x32x800xf32, #tpu.memory_space<hbm>>
      %dma_start3A_141 = tpu.memref_squeeze %dma_start3A_140 : memref<1x32x800xf32, #tpu.memory_space<hbm>> -> memref<32x800xf32, #tpu.memory_space<hbm>>
      %dma_start3A_142 = arith.constant 0 : i32
      %dma_start3A_143 = arith.constant 0 : i32
      %dma_start3A_144 = tpu.memref_slice %arg4[%dma_start3A, %dma_start3A_142, %dma_start3A_143] : memref<2x32x800xf32, #tpu.memory_space<vmem>> -> memref<1x32x800xf32, #tpu.memory_space<vmem>>
      %dma_start3A_145 = tpu.memref_squeeze %dma_start3A_144 : memref<1x32x800xf32, #tpu.memory_space<vmem>> -> memref<32x800xf32, #tpu.memory_space<vmem>>
      %dma_start3A_146 = arith.constant 0 : i32
      %dma_start3A_147 = tpu.memref_slice %arg2[%select_n3A, %dma_start3A_146, %mul3A_134] : memref<26x32x100000xf32, #tpu.memory_space<hbm>> -> memref<1x32x800xf32, #tpu.memory_space<hbm>>
      %dma_start3A_148 = tpu.memref_squeeze %dma_start3A_147 : memref<1x32x800xf32, #tpu.memory_space<hbm>> -> memref<32x800xf32, #tpu.memory_space<hbm>>
      tpu.enqueue_dma source(%dma_start3A_148 : memref<32x800xf32, #tpu.memory_space<hbm>>) target(%dma_start3A_145 : memref<32x800xf32, #tpu.memory_space<vmem>>) target_semaphore(%arg6 : memref<!tpu.dma_semaphore, #tpu.memory_space<semaphore_mem>>)
    } else {
    }
    %scan3A = arith.constant 0 : i32
    %scan3A_68 = arith.constant 0 : i32
    %scan3A_69 = arith.constant 51 : i32
    %scan3A_70 = arith.addi %scan3A_68, %scan3A_69 : i32
    %scan3A_71 = arith.constant 1 : i32
    scf.for %scan3A_102 = %scan3A_68 to %scan3A_70 step %scan3A_71  : i32 {
      %mul3A_103 = arith.constant 2 : i32
      %mul3A_104 = arith.muli %mul3A_103, %scan3A_102 : i32
      %add3A_105 = arith.addi %mul3A_2, %mul3A_104 : i32
      %add3A_106 = arith.constant 0 : i32
      %add3A_107 = arith.addi %add3A_105, %add3A_106 : i32
      %add3A_108 = arith.constant 1 : i32
      %add3A_109 = arith.addi %add3A_107, %add3A_108 : i32
      %add3A_110 = arith.constant 102 : i32
      %add3A_111 = arith.addi %mul3A_2, %add3A_110 : i32
      %min3A = arith.constant 3250 : i32
      %min3A_112 = arith.minsi %add3A_111, %min3A : i32
      %lt3A_113 = arith.cmpi slt, %add3A_109, %min3A_112 : i32
      %convert_element_type3A_114 = arith.extui %lt3A_113 : i1 to i32
      %cond3A_115 = arith.constant 0 : i32
      %cond3A_116 = arith.cmpi ne, %convert_element_type3A_114, %cond3A_115 : i32
      scf.if %cond3A_116 {
        %add3A_142 = arith.constant 1 : i32
        %add3A_143 = arith.addi %add3A_107, %add3A_142 : i32
        %jit3A = arith.constant 125 : i32
        %div3A = arith.divsi %add3A_143, %jit3A : i32
        %sign3A = arith.constant 0 : i32
        %sign3A_144 = arith.cmpi sgt, %add3A_143, %sign3A : i32
        %sign3A_145 = arith.extui %sign3A_144 : i1 to i32
        %sign3A_146 = arith.constant 0 : i32
        %sign3A_147 = arith.cmpi slt, %add3A_143, %sign3A_146 : i32
        %sign3A_148 = arith.extui %sign3A_147 : i1 to i32
        %sign3A_149 = arith.subi %sign3A_145, %sign3A_148 : i32
        %sign3A_150 = arith.constant 0 : i32
        %sign3A_151 = arith.cmpi sgt, %jit3A, %sign3A_150 : i32
        %sign3A_152 = arith.extui %sign3A_151 : i1 to i32
        %sign3A_153 = arith.constant 0 : i32
        %sign3A_154 = arith.cmpi slt, %jit3A, %sign3A_153 : i32
        %sign3A_155 = arith.extui %sign3A_154 : i1 to i32
        %sign3A_156 = arith.subi %sign3A_152, %sign3A_155 : i32
        %ne3A = arith.cmpi ne, %sign3A_149, %sign3A_156 : i32
        %rem3A = arith.remsi %add3A_143, %jit3A : i32
        %ne3A_157 = arith.constant 0 : i32
        %ne3A_158 = arith.cmpi ne, %rem3A, %ne3A_157 : i32
        %and3A = arith.andi %ne3A, %ne3A_158 : i1
        %sub3A = arith.constant 1 : i32
        %sub3A_159 = arith.subi %div3A, %sub3A : i32
        %select_n3A = arith.select %and3A, %sub3A_159, %div3A : i32
        %jit3A_160 = arith.constant 125 : i32
        %eq3A = arith.constant 0 : i32
        %eq3A_161 = arith.cmpi eq, %jit3A_160, %eq3A : i32
        %jit3A_162 = arith.constant 1 : i32
        %select_n3A_163 = arith.select %eq3A_161, %jit3A_162, %jit3A_160 : i32
        %rem3A_164 = arith.remsi %add3A_143, %select_n3A_163 : i32
        %ne3A_165 = arith.constant 0 : i32
        %ne3A_166 = arith.cmpi ne, %rem3A_164, %ne3A_165 : i32
        %lt3A_167 = arith.constant 0 : i32
        %lt3A_168 = arith.cmpi slt, %rem3A_164, %lt3A_167 : i32
        %lt3A_169 = arith.constant 0 : i32
        %lt3A_170 = arith.cmpi slt, %select_n3A_163, %lt3A_169 : i32
        %ne3A_171 = arith.xori %lt3A_168, %lt3A_170 : i1
        %and3A_172 = arith.andi %ne3A_171, %ne3A_166 : i1
        %add3A_173 = arith.addi %rem3A_164, %select_n3A_163 : i32
        %select_n3A_174 = arith.select %and3A_172, %add3A_173, %rem3A_164 : i32
        %mul3A_175 = arith.constant 800 : i32
        %mul3A_176 = arith.muli %select_n3A_174, %mul3A_175 : i32
        %dma_start3A = arith.constant 1 : i32
        %dma_start3A_177 = arith.constant 0 : i32
        %dma_start3A_178 = arith.constant 0 : i32
        %dma_start3A_179 = tpu.memref_slice %arg4[%dma_start3A, %dma_start3A_177, %dma_start3A_178] : memref<2x32x800xf32, #tpu.memory_space<vmem>> -> memref<1x32x800xf32, #tpu.memory_space<vmem>>
        %dma_start3A_180 = tpu.memref_squeeze %dma_start3A_179 : memref<1x32x800xf32, #tpu.memory_space<vmem>> -> memref<32x800xf32, #tpu.memory_space<vmem>>
        %dma_start3A_181 = arith.constant 0 : i32
        %dma_start3A_182 = tpu.memref_slice %arg2[%select_n3A, %dma_start3A_181, %mul3A_176] : memref<26x32x100000xf32, #tpu.memory_space<hbm>> -> memref<1x32x800xf32, #tpu.memory_space<hbm>>
        %dma_start3A_183 = tpu.memref_squeeze %dma_start3A_182 : memref<1x32x800xf32, #tpu.memory_space<hbm>> -> memref<32x800xf32, #tpu.memory_space<hbm>>
        %dma_start3A_184 = arith.constant 0 : i32
        %dma_start3A_185 = arith.constant 0 : i32
        %dma_start3A_186 = tpu.memref_slice %arg4[%dma_start3A, %dma_start3A_184, %dma_start3A_185] : memref<2x32x800xf32, #tpu.memory_space<vmem>> -> memref<1x32x800xf32, #tpu.memory_space<vmem>>
        %dma_start3A_187 = tpu.memref_squeeze %dma_start3A_186 : memref<1x32x800xf32, #tpu.memory_space<vmem>> -> memref<32x800xf32, #tpu.memory_space<vmem>>
        %dma_start3A_188 = arith.constant 0 : i32
        %dma_start3A_189 = tpu.memref_slice %arg2[%select_n3A, %dma_start3A_188, %mul3A_176] : memref<26x32x100000xf32, #tpu.memory_space<hbm>> -> memref<1x32x800xf32, #tpu.memory_space<hbm>>
        %dma_start3A_190 = tpu.memref_squeeze %dma_start3A_189 : memref<1x32x800xf32, #tpu.memory_space<hbm>> -> memref<32x800xf32, #tpu.memory_space<hbm>>
        tpu.enqueue_dma source(%dma_start3A_190 : memref<32x800xf32, #tpu.memory_space<hbm>>) target(%dma_start3A_187 : memref<32x800xf32, #tpu.memory_space<vmem>>) target_semaphore(%arg7 : memref<!tpu.dma_semaphore, #tpu.memory_space<semaphore_mem>>)
      } else {
      }
      %lt3A_117 = arith.constant 3250 : i32
      %lt3A_118 = arith.cmpi slt, %add3A_107, %lt3A_117 : i32
      %convert_element_type3A_119 = arith.extui %lt3A_118 : i1 to i32
      %cond3A_120 = arith.constant 0 : i32
      %cond3A_121 = arith.cmpi ne, %convert_element_type3A_119, %cond3A_120 : i32
      scf.if %cond3A_121 {
        %dma_wait3A_142 = arith.constant 0 : i32
        %dma_wait3A_143 = arith.constant 0 : i32
        %dma_wait3A_144 = arith.constant 0 : i32
        %dma_wait3A_145 = arith.constant 0 : i32
        %dma_wait3A_146 = tpu.memref_slice %arg4[%dma_wait3A_143, %dma_wait3A_144, %dma_wait3A_145] : memref<2x32x800xf32, #tpu.memory_space<vmem>> -> memref<1x32x800xf32, #tpu.memory_space<vmem>>
        %dma_wait3A_147 = tpu.memref_squeeze %dma_wait3A_146 : memref<1x32x800xf32, #tpu.memory_space<vmem>> -> memref<32x800xf32, #tpu.memory_space<vmem>>
        %dma_wait3A_148 = arith.constant 0 : i32
        %dma_wait3A_149 = arith.constant 0 : i32
        %dma_wait3A_150 = tpu.memref_slice %arg2[%dma_wait3A_142, %dma_wait3A_148, %dma_wait3A_149] : memref<26x32x100000xf32, #tpu.memory_space<hbm>> -> memref<1x32x800xf32, #tpu.memory_space<hbm>>
        %dma_wait3A_151 = tpu.memref_squeeze %dma_wait3A_150 : memref<1x32x800xf32, #tpu.memory_space<hbm>> -> memref<32x800xf32, #tpu.memory_space<hbm>>
        %dma_wait3A_152 = arith.constant 0 : i32
        %dma_wait3A_153 = arith.constant 0 : i32
        %dma_wait3A_154 = tpu.memref_slice %arg4[%dma_wait3A_143, %dma_wait3A_152, %dma_wait3A_153] : memref<2x32x800xf32, #tpu.memory_space<vmem>> -> memref<1x32x800xf32, #tpu.memory_space<vmem>>
        %dma_wait3A_155 = tpu.memref_squeeze %dma_wait3A_154 : memref<1x32x800xf32, #tpu.memory_space<vmem>> -> memref<32x800xf32, #tpu.memory_space<vmem>>
        %dma_wait3A_156 = arith.constant 0 : i32
        %dma_wait3A_157 = arith.constant 0 : i32
        %dma_wait3A_158 = tpu.memref_slice %arg2[%dma_wait3A_142, %dma_wait3A_156, %dma_wait3A_157] : memref<26x32x100000xf32, #tpu.memory_space<hbm>> -> memref<1x32x800xf32, #tpu.memory_space<hbm>>
        %dma_wait3A_159 = tpu.memref_squeeze %dma_wait3A_158 : memref<1x32x800xf32, #tpu.memory_space<hbm>> -> memref<32x800xf32, #tpu.memory_space<hbm>>
        tpu.wait_dma2 semaphore(%arg6 : memref<!tpu.dma_semaphore, #tpu.memory_space<semaphore_mem>>) src(%dma_wait3A_159 : memref<32x800xf32, #tpu.memory_space<hbm>>) dst(%dma_wait3A_155 : memref<32x800xf32, #tpu.memory_space<vmem>>)
        %add3A_160 = arith.constant 2 : i32
        %add3A_161 = arith.addi %mul3A_2, %add3A_160 : i32
        %ge3A = arith.cmpi sge, %add3A_107, %add3A_161 : i32
        %convert_element_type3A_162 = arith.extui %ge3A : i1 to i32
        %cond3A_163 = arith.constant 0 : i32
        %cond3A_164 = arith.cmpi ne, %convert_element_type3A_162, %cond3A_163 : i32
        scf.if %cond3A_164 {
          %dma_wait3A_219 = arith.constant 0 : i32
          %dma_wait3A_220 = arith.constant 0 : i32
          %dma_wait3A_221 = arith.constant 0 : i32
          %dma_wait3A_222 = tpu.memref_slice %arg5[%dma_wait3A_219, %dma_wait3A_220, %dma_wait3A_221] : memref<2x800x33xf32, #tpu.memory_space<vmem>> -> memref<1x800x32xf32, #tpu.memory_space<vmem>>
          %dma_wait3A_223 = tpu.memref_squeeze %dma_wait3A_222 : memref<1x800x32xf32, #tpu.memory_space<vmem>> -> memref<800x32xf32, #tpu.memory_space<vmem>>
          %dma_wait3A_224 = arith.constant 0 : i32
          %dma_wait3A_225 = arith.constant 0 : i32
          %dma_wait3A_226 = tpu.memref_slice %arg3[%dma_wait3A_224, %dma_wait3A_225] : memref<2600000x32xf32, #tpu.memory_space<hbm>> -> memref<800x32xf32, #tpu.memory_space<hbm>>
          %dma_wait3A_227 = arith.constant 0 : i32
          %dma_wait3A_228 = arith.constant 0 : i32
          %dma_wait3A_229 = tpu.memref_slice %arg3[%dma_wait3A_227, %dma_wait3A_228] : memref<2600000x32xf32, #tpu.memory_space<hbm>> -> memref<800x32xf32, #tpu.memory_space<hbm>>
          %dma_wait3A_230 = arith.constant 0 : i32
          %dma_wait3A_231 = arith.constant 0 : i32
          %dma_wait3A_232 = tpu.memref_slice %arg5[%dma_wait3A_219, %dma_wait3A_230, %dma_wait3A_231] : memref<2x800x33xf32, #tpu.memory_space<vmem>> -> memref<1x800x32xf32, #tpu.memory_space<vmem>>
          %dma_wait3A_233 = tpu.memref_squeeze %dma_wait3A_232 : memref<1x800x32xf32, #tpu.memory_space<vmem>> -> memref<800x32xf32, #tpu.memory_space<vmem>>
          tpu.wait_dma2 semaphore(%arg8 : memref<!tpu.dma_semaphore, #tpu.memory_space<semaphore_mem>>) src(%dma_wait3A_233 : memref<800x32xf32, #tpu.memory_space<vmem>>) dst(%dma_wait3A_229 : memref<800x32xf32, #tpu.memory_space<hbm>>)
        } else {
        }
        %scan3A_165 = arith.constant 0 : i32
        %scan3A_166 = arith.constant 0 : i32
        %scan3A_167 = arith.constant 50 : i32
        %scan3A_168 = arith.addi %scan3A_166, %scan3A_167 : i32
        %scan3A_169 = arith.constant 1 : i32
        scf.for %scan3A_219 = %scan3A_166 to %scan3A_168 step %scan3A_169  : i32 {
          %mul3A_220 = arith.constant 16 : i32
          %mul3A_221 = arith.muli %scan3A_219, %mul3A_220 : i32
          %add3A_222 = vector.broadcast %mul3A_221 : i32 to vector<16xi32>
          %add3A_223 = arith.addi %iota3A, %add3A_222 : vector<16xi32>
          %mul3A_224 = arith.constant 16 : i32
          %mul3A_225 = arith.muli %scan3A_219, %mul3A_224 : i32
          %get3A = arith.constant 0 : i32
          %get3A_226 = arith.constant 0 : i32
          %get3A_227 = arith.index_cast %get3A : i32 to index
          %get3A_228 = arith.index_cast %get3A_226 : i32 to index
          %get3A_229 = arith.index_cast %mul3A_225 : i32 to index
          %get3A_230 = tpu.vector_load %arg4[%get3A_227, %get3A_228, %get3A_229] {strides = array<i32>} : memref<2x32x800xf32, #tpu.memory_space<vmem>>, vector<16xf32>,
          %mul3A_231 = arith.constant 16 : i32
          %mul3A_232 = arith.muli %scan3A_219, %mul3A_231 : i32
          %get3A_233 = arith.constant 0 : i32
          %get3A_234 = arith.constant 1 : i32
          %get3A_235 = arith.index_cast %get3A_233 : i32 to index
          %get3A_236 = arith.index_cast %get3A_234 : i32 to index
          %get3A_237 = arith.index_cast %mul3A_232 : i32 to index
          %get3A_238 = tpu.vector_load %arg4[%get3A_235, %get3A_236, %get3A_237] {strides = array<i32>} : memref<2x32x800xf32, #tpu.memory_space<vmem>>, vector<16xf32>,
          %mul3A_239 = arith.constant 16 : i32
          %mul3A_240 = arith.muli %scan3A_219, %mul3A_239 : i32
          %get3A_241 = arith.constant 0 : i32
          %get3A_242 = arith.constant 2 : i32
          %get3A_243 = arith.index_cast %get3A_241 : i32 to index
          %get3A_244 = arith.index_cast %get3A_242 : i32 to index
          %get3A_245 = arith.index_cast %mul3A_240 : i32 to index
          %get3A_246 = tpu.vector_load %arg4[%get3A_243, %get3A_244, %get3A_245] {strides = array<i32>} : memref<2x32x800xf32, #tpu.memory_space<vmem>>, vector<16xf32>,
          %mul3A_247 = arith.constant 16 : i32
          %mul3A_248 = arith.muli %scan3A_219, %mul3A_247 : i32
          %get3A_249 = arith.constant 0 : i32
          %get3A_250 = arith.constant 3 : i32
          %get3A_251 = arith.index_cast %get3A_249 : i32 to index
          %get3A_252 = arith.index_cast %get3A_250 : i32 to index
          %get3A_253 = arith.index_cast %mul3A_248 : i32 to index
          %get3A_254 = tpu.vector_load %arg4[%get3A_251, %get3A_252, %get3A_253] {strides = array<i32>} : memref<2x32x800xf32, #tpu.memory_space<vmem>>, vector<16xf32>,
          %mul3A_255 = arith.constant 16 : i32
          %mul3A_256 = arith.muli %scan3A_219, %mul3A_255 : i32
          %get3A_257 = arith.constant 0 : i32
          %get3A_258 = arith.constant 4 : i32
          %get3A_259 = arith.index_cast %get3A_257 : i32 to index
          %get3A_260 = arith.index_cast %get3A_258 : i32 to index
          %get3A_261 = arith.index_cast %mul3A_256 : i32 to index
          %get3A_262 = tpu.vector_load %arg4[%get3A_259, %get3A_260, %get3A_261] {strides = array<i32>} : memref<2x32x800xf32, #tpu.memory_space<vmem>>, vector<16xf32>,
          %mul3A_263 = arith.constant 16 : i32
          %mul3A_264 = arith.muli %scan3A_219, %mul3A_263 : i32
          %get3A_265 = arith.constant 0 : i32
          %get3A_266 = arith.constant 5 : i32
          %get3A_267 = arith.index_cast %get3A_265 : i32 to index
          %get3A_268 = arith.index_cast %get3A_266 : i32 to index
          %get3A_269 = arith.index_cast %mul3A_264 : i32 to index
          %get3A_270 = tpu.vector_load %arg4[%get3A_267, %get3A_268, %get3A_269] {strides = array<i32>} : memref<2x32x800xf32, #tpu.memory_space<vmem>>, vector<16xf32>,
          %mul3A_271 = arith.constant 16 : i32
          %mul3A_272 = arith.muli %scan3A_219, %mul3A_271 : i32
          %get3A_273 = arith.constant 0 : i32
          %get3A_274 = arith.constant 6 : i32
          %get3A_275 = arith.index_cast %get3A_273 : i32 to index
          %get3A_276 = arith.index_cast %get3A_274 : i32 to index
          %get3A_277 = arith.index_cast %mul3A_272 : i32 to index
          %get3A_278 = tpu.vector_load %arg4[%get3A_275, %get3A_276, %get3A_277] {strides = array<i32>} : memref<2x32x800xf32, #tpu.memory_space<vmem>>, vector<16xf32>,
          %mul3A_279 = arith.constant 16 : i32
          %mul3A_280 = arith.muli %scan3A_219, %mul3A_279 : i32
          %get3A_281 = arith.constant 0 : i32
          %get3A_282 = arith.constant 7 : i32
          %get3A_283 = arith.index_cast %get3A_281 : i32 to index
          %get3A_284 = arith.index_cast %get3A_282 : i32 to index
          %get3A_285 = arith.index_cast %mul3A_280 : i32 to index
          %get3A_286 = tpu.vector_load %arg4[%get3A_283, %get3A_284, %get3A_285] {strides = array<i32>} : memref<2x32x800xf32, #tpu.memory_space<vmem>>, vector<16xf32>,
          %mul3A_287 = arith.constant 16 : i32
          %mul3A_288 = arith.muli %scan3A_219, %mul3A_287 : i32
          %get3A_289 = arith.constant 0 : i32
          %get3A_290 = arith.constant 8 : i32
          %get3A_291 = arith.index_cast %get3A_289 : i32 to index
          %get3A_292 = arith.index_cast %get3A_290 : i32 to index
          %get3A_293 = arith.index_cast %mul3A_288 : i32 to index
          %get3A_294 = tpu.vector_load %arg4[%get3A_291, %get3A_292, %get3A_293] {strides = array<i32>} : memref<2x32x800xf32, #tpu.memory_space<vmem>>, vector<16xf32>,
          %mul3A_295 = arith.constant 16 : i32
          %mul3A_296 = arith.muli %scan3A_219, %mul3A_295 : i32
          %get3A_297 = arith.constant 0 : i32
          %get3A_298 = arith.constant 9 : i32
          %get3A_299 = arith.index_cast %get3A_297 : i32 to index
          %get3A_300 = arith.index_cast %get3A_298 : i32 to index
          %get3A_301 = arith.index_cast %mul3A_296 : i32 to index
          %get3A_302 = tpu.vector_load %arg4[%get3A_299, %get3A_300, %get3A_301] {strides = array<i32>} : memref<2x32x800xf32, #tpu.memory_space<vmem>>, vector<16xf32>,
          %mul3A_303 = arith.constant 16 : i32
          %mul3A_304 = arith.muli %scan3A_219, %mul3A_303 : i32
          %get3A_305 = arith.constant 0 : i32
          %get3A_306 = arith.constant 10 : i32
          %get3A_307 = arith.index_cast %get3A_305 : i32 to index
          %get3A_308 = arith.index_cast %get3A_306 : i32 to index
          %get3A_309 = arith.index_cast %mul3A_304 : i32 to index
          %get3A_310 = tpu.vector_load %arg4[%get3A_307, %get3A_308, %get3A_309] {strides = array<i32>} : memref<2x32x800xf32, #tpu.memory_space<vmem>>, vector<16xf32>,
          %mul3A_311 = arith.constant 16 : i32
          %mul3A_312 = arith.muli %scan3A_219, %mul3A_311 : i32
          %get3A_313 = arith.constant 0 : i32
          %get3A_314 = arith.constant 11 : i32
          %get3A_315 = arith.index_cast %get3A_313 : i32 to index
          %get3A_316 = arith.index_cast %get3A_314 : i32 to index
          %get3A_317 = arith.index_cast %mul3A_312 : i32 to index
          %get3A_318 = tpu.vector_load %arg4[%get3A_315, %get3A_316, %get3A_317] {strides = array<i32>} : memref<2x32x800xf32, #tpu.memory_space<vmem>>, vector<16xf32>,
          %mul3A_319 = arith.constant 16 : i32
          %mul3A_320 = arith.muli %scan3A_219, %mul3A_319 : i32
          %get3A_321 = arith.constant 0 : i32
          %get3A_322 = arith.constant 12 : i32
          %get3A_323 = arith.index_cast %get3A_321 : i32 to index
          %get3A_324 = arith.index_cast %get3A_322 : i32 to index
          %get3A_325 = arith.index_cast %mul3A_320 : i32 to index
          %get3A_326 = tpu.vector_load %arg4[%get3A_323, %get3A_324, %get3A_325] {strides = array<i32>} : memref<2x32x800xf32, #tpu.memory_space<vmem>>, vector<16xf32>,
          %mul3A_327 = arith.constant 16 : i32
          %mul3A_328 = arith.muli %scan3A_219, %mul3A_327 : i32
          %get3A_329 = arith.constant 0 : i32
          %get3A_330 = arith.constant 13 : i32
          %get3A_331 = arith.index_cast %get3A_329 : i32 to index
          %get3A_332 = arith.index_cast %get3A_330 : i32 to index
          %get3A_333 = arith.index_cast %mul3A_328 : i32 to index
          %get3A_334 = tpu.vector_load %arg4[%get3A_331, %get3A_332, %get3A_333] {strides = array<i32>} : memref<2x32x800xf32, #tpu.memory_space<vmem>>, vector<16xf32>,
          %mul3A_335 = arith.constant 16 : i32
          %mul3A_336 = arith.muli %scan3A_219, %mul3A_335 : i32
          %get3A_337 = arith.constant 0 : i32
          %get3A_338 = arith.constant 14 : i32
          %get3A_339 = arith.index_cast %get3A_337 : i32 to index
          %get3A_340 = arith.index_cast %get3A_338 : i32 to index
          %get3A_341 = arith.index_cast %mul3A_336 : i32 to index
          %get3A_342 = tpu.vector_load %arg4[%get3A_339, %get3A_340, %get3A_341] {strides = array<i32>} : memref<2x32x800xf32, #tpu.memory_space<vmem>>, vector<16xf32>,
          %mul3A_343 = arith.constant 16 : i32
          %mul3A_344 = arith.muli %scan3A_219, %mul3A_343 : i32
          %get3A_345 = arith.constant 0 : i32
          %get3A_346 = arith.constant 15 : i32
          %get3A_347 = arith.index_cast %get3A_345 : i32 to index
          %get3A_348 = arith.index_cast %get3A_346 : i32 to index
          %get3A_349 = arith.index_cast %mul3A_344 : i32 to index
          %get3A_350 = tpu.vector_load %arg4[%get3A_347, %get3A_348, %get3A_349] {strides = array<i32>} : memref<2x32x800xf32, #tpu.memory_space<vmem>>, vector<16xf32>,
          %scatter3A = arith.constant 0 : i32
          %scatter3A_351 = arith.constant 0 : i32
          %scatter3A_352 = arith.constant 0 : i32
          %scatter3A_353 = tpu.memref_slice %arg5[%scatter3A, %scatter3A_351, %scatter3A_352] : memref<2x800x33xf32, #tpu.memory_space<vmem>> -> memref<1x800x33xf32, #tpu.memory_space<vmem>>
          %scatter3A_354 = tpu.memref_squeeze %scatter3A_353 : memref<1x800x33xf32, #tpu.memory_space<vmem>> -> memref<800x33xf32, #tpu.memory_space<vmem>>
          tpu.vector_store_idx %scatter3A_354[%add3A_223, %broadcast_in_dim3A_3], %get3A_230 : memref<800x33xf32, #tpu.memory_space<vmem>>[vector<16xi32>, vector<16xi32>], vector<16xf32>,
          %scatter3A_355 = arith.constant 0 : i32
          %scatter3A_356 = arith.constant 0 : i32
          %scatter3A_357 = arith.constant 0 : i32
          %scatter3A_358 = tpu.memref_slice %arg5[%scatter3A_355, %scatter3A_356, %scatter3A_357] : memref<2x800x33xf32, #tpu.memory_space<vmem>> -> memref<1x800x33xf32, #tpu.memory_space<vmem>>
          %scatter3A_359 = tpu.memref_squeeze %scatter3A_358 : memref<1x800x33xf32, #tpu.memory_space<vmem>> -> memref<800x33xf32, #tpu.memory_space<vmem>>
          tpu.vector_store_idx %scatter3A_359[%add3A_223, %broadcast_in_dim3A_5], %get3A_238 : memref<800x33xf32, #tpu.memory_space<vmem>>[vector<16xi32>, vector<16xi32>], vector<16xf32>,
          %scatter3A_360 = arith.constant 0 : i32
          %scatter3A_361 = arith.constant 0 : i32
          %scatter3A_362 = arith.constant 0 : i32
          %scatter3A_363 = tpu.memref_slice %arg5[%scatter3A_360, %scatter3A_361, %scatter3A_362] : memref<2x800x33xf32, #tpu.memory_space<vmem>> -> memref<1x800x33xf32, #tpu.memory_space<vmem>>
          %scatter3A_364 = tpu.memref_squeeze %scatter3A_363 : memref<1x800x33xf32, #tpu.memory_space<vmem>> -> memref<800x33xf32, #tpu.memory_space<vmem>>
          tpu.vector_store_idx %scatter3A_364[%add3A_223, %broadcast_in_dim3A_7], %get3A_246 : memref<800x33xf32, #tpu.memory_space<vmem>>[vector<16xi32>, vector<16xi32>], vector<16xf32>,
          %scatter3A_365 = arith.constant 0 : i32
          %scatter3A_366 = arith.constant 0 : i32
          %scatter3A_367 = arith.constant 0 : i32
          %scatter3A_368 = tpu.memref_slice %arg5[%scatter3A_365, %scatter3A_366, %scatter3A_367] : memref<2x800x33xf32, #tpu.memory_space<vmem>> -> memref<1x800x33xf32, #tpu.memory_space<vmem>>
          %scatter3A_369 = tpu.memref_squeeze %scatter3A_368 : memref<1x800x33xf32, #tpu.memory_space<vmem>> -> memref<800x33xf32, #tpu.memory_space<vmem>>
          tpu.vector_store_idx %scatter3A_369[%add3A_223, %broadcast_in_dim3A_9], %get3A_254 : memref<800x33xf32, #tpu.memory_space<vmem>>[vector<16xi32>, vector<16xi32>], vector<16xf32>,
          %scatter3A_370 = arith.constant 0 : i32
          %scatter3A_371 = arith.constant 0 : i32
          %scatter3A_372 = arith.constant 0 : i32
          %scatter3A_373 = tpu.memref_slice %arg5[%scatter3A_370, %scatter3A_371, %scatter3A_372] : memref<2x800x33xf32, #tpu.memory_space<vmem>> -> memref<1x800x33xf32, #tpu.memory_space<vmem>>
          %scatter3A_374 = tpu.memref_squeeze %scatter3A_373 : memref<1x800x33xf32, #tpu.memory_space<vmem>> -> memref<800x33xf32, #tpu.memory_space<vmem>>
          tpu.vector_store_idx %scatter3A_374[%add3A_223, %broadcast_in_dim3A_11], %get3A_262 : memref<800x33xf32, #tpu.memory_space<vmem>>[vector<16xi32>, vector<16xi32>], vector<16xf32>,
          %scatter3A_375 = arith.constant 0 : i32
          %scatter3A_376 = arith.constant 0 : i32
          %scatter3A_377 = arith.constant 0 : i32
          %scatter3A_378 = tpu.memref_slice %arg5[%scatter3A_375, %scatter3A_376, %scatter3A_377] : memref<2x800x33xf32, #tpu.memory_space<vmem>> -> memref<1x800x33xf32, #tpu.memory_space<vmem>>
          %scatter3A_379 = tpu.memref_squeeze %scatter3A_378 : memref<1x800x33xf32, #tpu.memory_space<vmem>> -> memref<800x33xf32, #tpu.memory_space<vmem>>
          tpu.vector_store_idx %scatter3A_379[%add3A_223, %broadcast_in_dim3A_13], %get3A_270 : memref<800x33xf32, #tpu.memory_space<vmem>>[vector<16xi32>, vector<16xi32>], vector<16xf32>,
          %scatter3A_380 = arith.constant 0 : i32
          %scatter3A_381 = arith.constant 0 : i32
          %scatter3A_382 = arith.constant 0 : i32
          %scatter3A_383 = tpu.memref_slice %arg5[%scatter3A_380, %scatter3A_381, %scatter3A_382] : memref<2x800x33xf32, #tpu.memory_space<vmem>> -> memref<1x800x33xf32, #tpu.memory_space<vmem>>
          %scatter3A_384 = tpu.memref_squeeze %scatter3A_383 : memref<1x800x33xf32, #tpu.memory_space<vmem>> -> memref<800x33xf32, #tpu.memory_space<vmem>>
          tpu.vector_store_idx %scatter3A_384[%add3A_223, %broadcast_in_dim3A_15], %get3A_278 : memref<800x33xf32, #tpu.memory_space<vmem>>[vector<16xi32>, vector<16xi32>], vector<16xf32>,
          %scatter3A_385 = arith.constant 0 : i32
          %scatter3A_386 = arith.constant 0 : i32
          %scatter3A_387 = arith.constant 0 : i32
          %scatter3A_388 = tpu.memref_slice %arg5[%scatter3A_385, %scatter3A_386, %scatter3A_387] : memref<2x800x33xf32, #tpu.memory_space<vmem>> -> memref<1x800x33xf32, #tpu.memory_space<vmem>>
          %scatter3A_389 = tpu.memref_squeeze %scatter3A_388 : memref<1x800x33xf32, #tpu.memory_space<vmem>> -> memref<800x33xf32, #tpu.memory_space<vmem>>
          tpu.vector_store_idx %scatter3A_389[%add3A_223, %broadcast_in_dim3A_17], %get3A_286 : memref<800x33xf32, #tpu.memory_space<vmem>>[vector<16xi32>, vector<16xi32>], vector<16xf32>,
          %scatter3A_390 = arith.constant 0 : i32
          %scatter3A_391 = arith.constant 0 : i32
          %scatter3A_392 = arith.constant 0 : i32
          %scatter3A_393 = tpu.memref_slice %arg5[%scatter3A_390, %scatter3A_391, %scatter3A_392] : memref<2x800x33xf32, #tpu.memory_space<vmem>> -> memref<1x800x33xf32, #tpu.memory_space<vmem>>
          %scatter3A_394 = tpu.memref_squeeze %scatter3A_393 : memref<1x800x33xf32, #tpu.memory_space<vmem>> -> memref<800x33xf32, #tpu.memory_space<vmem>>
          tpu.vector_store_idx %scatter3A_394[%add3A_223, %broadcast_in_dim3A_19], %get3A_294 : memref<800x33xf32, #tpu.memory_space<vmem>>[vector<16xi32>, vector<16xi32>], vector<16xf32>,
          %scatter3A_395 = arith.constant 0 : i32
          %scatter3A_396 = arith.constant 0 : i32
          %scatter3A_397 = arith.constant 0 : i32
          %scatter3A_398 = tpu.memref_slice %arg5[%scatter3A_395, %scatter3A_396, %scatter3A_397] : memref<2x800x33xf32, #tpu.memory_space<vmem>> -> memref<1x800x33xf32, #tpu.memory_space<vmem>>
          %scatter3A_399 = tpu.memref_squeeze %scatter3A_398 : memref<1x800x33xf32, #tpu.memory_space<vmem>> -> memref<800x33xf32, #tpu.memory_space<vmem>>
          tpu.vector_store_idx %scatter3A_399[%add3A_223, %broadcast_in_dim3A_21], %get3A_302 : memref<800x33xf32, #tpu.memory_space<vmem>>[vector<16xi32>, vector<16xi32>], vector<16xf32>,
          %scatter3A_400 = arith.constant 0 : i32
          %scatter3A_401 = arith.constant 0 : i32
          %scatter3A_402 = arith.constant 0 : i32
          %scatter3A_403 = tpu.memref_slice %arg5[%scatter3A_400, %scatter3A_401, %scatter3A_402] : memref<2x800x33xf32, #tpu.memory_space<vmem>> -> memref<1x800x33xf32, #tpu.memory_space<vmem>>
          %scatter3A_404 = tpu.memref_squeeze %scatter3A_403 : memref<1x800x33xf32, #tpu.memory_space<vmem>> -> memref<800x33xf32, #tpu.memory_space<vmem>>
          tpu.vector_store_idx %scatter3A_404[%add3A_223, %broadcast_in_dim3A_23], %get3A_310 : memref<800x33xf32, #tpu.memory_space<vmem>>[vector<16xi32>, vector<16xi32>], vector<16xf32>,
          %scatter3A_405 = arith.constant 0 : i32
          %scatter3A_406 = arith.constant 0 : i32
          %scatter3A_407 = arith.constant 0 : i32
          %scatter3A_408 = tpu.memref_slice %arg5[%scatter3A_405, %scatter3A_406, %scatter3A_407] : memref<2x800x33xf32, #tpu.memory_space<vmem>> -> memref<1x800x33xf32, #tpu.memory_space<vmem>>
          %scatter3A_409 = tpu.memref_squeeze %scatter3A_408 : memref<1x800x33xf32, #tpu.memory_space<vmem>> -> memref<800x33xf32, #tpu.memory_space<vmem>>
          tpu.vector_store_idx %scatter3A_409[%add3A_223, %broadcast_in_dim3A_25], %get3A_318 : memref<800x33xf32, #tpu.memory_space<vmem>>[vector<16xi32>, vector<16xi32>], vector<16xf32>,
          %scatter3A_410 = arith.constant 0 : i32
          %scatter3A_411 = arith.constant 0 : i32
          %scatter3A_412 = arith.constant 0 : i32
          %scatter3A_413 = tpu.memref_slice %arg5[%scatter3A_410, %scatter3A_411, %scatter3A_412] : memref<2x800x33xf32, #tpu.memory_space<vmem>> -> memref<1x800x33xf32, #tpu.memory_space<vmem>>
          %scatter3A_414 = tpu.memref_squeeze %scatter3A_413 : memref<1x800x33xf32, #tpu.memory_space<vmem>> -> memref<800x33xf32, #tpu.memory_space<vmem>>
          tpu.vector_store_idx %scatter3A_414[%add3A_223, %broadcast_in_dim3A_27], %get3A_326 : memref<800x33xf32, #tpu.memory_space<vmem>>[vector<16xi32>, vector<16xi32>], vector<16xf32>,
          %scatter3A_415 = arith.constant 0 : i32
          %scatter3A_416 = arith.constant 0 : i32
          %scatter3A_417 = arith.constant 0 : i32
          %scatter3A_418 = tpu.memref_slice %arg5[%scatter3A_415, %scatter3A_416, %scatter3A_417] : memref<2x800x33xf32, #tpu.memory_space<vmem>> -> memref<1x800x33xf32, #tpu.memory_space<vmem>>
          %scatter3A_419 = tpu.memref_squeeze %scatter3A_418 : memref<1x800x33xf32, #tpu.memory_space<vmem>> -> memref<800x33xf32, #tpu.memory_space<vmem>>
          tpu.vector_store_idx %scatter3A_419[%add3A_223, %broadcast_in_dim3A_29], %get3A_334 : memref<800x33xf32, #tpu.memory_space<vmem>>[vector<16xi32>, vector<16xi32>], vector<16xf32>,
          %scatter3A_420 = arith.constant 0 : i32
          %scatter3A_421 = arith.constant 0 : i32
          %scatter3A_422 = arith.constant 0 : i32
          %scatter3A_423 = tpu.memref_slice %arg5[%scatter3A_420, %scatter3A_421, %scatter3A_422] : memref<2x800x33xf32, #tpu.memory_space<vmem>> -> memref<1x800x33xf32, #tpu.memory_space<vmem>>
          %scatter3A_424 = tpu.memref_squeeze %scatter3A_423 : memref<1x800x33xf32, #tpu.memory_space<vmem>> -> memref<800x33xf32, #tpu.memory_space<vmem>>
          tpu.vector_store_idx %scatter3A_424[%add3A_223, %broadcast_in_dim3A_31], %get3A_342 : memref<800x33xf32, #tpu.memory_space<vmem>>[vector<16xi32>, vector<16xi32>], vector<16xf32>,
          %scatter3A_425 = arith.constant 0 : i32
          %scatter3A_426 = arith.constant 0 : i32
          %scatter3A_427 = arith.constant 0 : i32
          %scatter3A_428 = tpu.memref_slice %arg5[%scatter3A_425, %scatter3A_426, %scatter3A_427] : memref<2x800x33xf32, #tpu.memory_space<vmem>> -> memref<1x800x33xf32, #tpu.memory_space<vmem>>
          %scatter3A_429 = tpu.memref_squeeze %scatter3A_428 : memref<1x800x33xf32, #tpu.memory_space<vmem>> -> memref<800x33xf32, #tpu.memory_space<vmem>>
          tpu.vector_store_idx %scatter3A_429[%add3A_223, %broadcast_in_dim3A_33], %get3A_350 : memref<800x33xf32, #tpu.memory_space<vmem>>[vector<16xi32>, vector<16xi32>], vector<16xf32>,
          %mul3A_430 = arith.constant 16 : i32
          %mul3A_431 = arith.muli %scan3A_219, %mul3A_430 : i32
          %get3A_432 = arith.constant 0 : i32
          %get3A_433 = arith.constant 16 : i32
          %get3A_434 = arith.index_cast %get3A_432 : i32 to index
          %get3A_435 = arith.index_cast %get3A_433 : i32 to index
          %get3A_436 = arith.index_cast %mul3A_431 : i32 to index
          %get3A_437 = tpu.vector_load %arg4[%get3A_434, %get3A_435, %get3A_436] {strides = array<i32>} : memref<2x32x800xf32, #tpu.memory_space<vmem>>, vector<16xf32>,
          %mul3A_438 = arith.constant 16 : i32
          %mul3A_439 = arith.muli %scan3A_219, %mul3A_438 : i32
          %get3A_440 = arith.constant 0 : i32
          %get3A_441 = arith.constant 17 : i32
          %get3A_442 = arith.index_cast %get3A_440 : i32 to index
          %get3A_443 = arith.index_cast %get3A_441 : i32 to index
          %get3A_444 = arith.index_cast %mul3A_439 : i32 to index
          %get3A_445 = tpu.vector_load %arg4[%get3A_442, %get3A_443, %get3A_444] {strides = array<i32>} : memref<2x32x800xf32, #tpu.memory_space<vmem>>, vector<16xf32>,
          %mul3A_446 = arith.constant 16 : i32
          %mul3A_447 = arith.muli %scan3A_219, %mul3A_446 : i32
          %get3A_448 = arith.constant 0 : i32
          %get3A_449 = arith.constant 18 : i32
          %get3A_450 = arith.index_cast %get3A_448 : i32 to index
          %get3A_451 = arith.index_cast %get3A_449 : i32 to index
          %get3A_452 = arith.index_cast %mul3A_447 : i32 to index
          %get3A_453 = tpu.vector_load %arg4[%get3A_450, %get3A_451, %get3A_452] {strides = array<i32>} : memref<2x32x800xf32, #tpu.memory_space<vmem>>, vector<16xf32>,
          %mul3A_454 = arith.constant 16 : i32
          %mul3A_455 = arith.muli %scan3A_219, %mul3A_454 : i32
          %get3A_456 = arith.constant 0 : i32
          %get3A_457 = arith.constant 19 : i32
          %get3A_458 = arith.index_cast %get3A_456 : i32 to index
          %get3A_459 = arith.index_cast %get3A_457 : i32 to index
          %get3A_460 = arith.index_cast %mul3A_455 : i32 to index
          %get3A_461 = tpu.vector_load %arg4[%get3A_458, %get3A_459, %get3A_460] {strides = array<i32>} : memref<2x32x800xf32, #tpu.memory_space<vmem>>, vector<16xf32>,
          %mul3A_462 = arith.constant 16 : i32
          %mul3A_463 = arith.muli %scan3A_219, %mul3A_462 : i32
          %get3A_464 = arith.constant 0 : i32
          %get3A_465 = arith.constant 20 : i32
          %get3A_466 = arith.index_cast %get3A_464 : i32 to index
          %get3A_467 = arith.index_cast %get3A_465 : i32 to index
          %get3A_468 = arith.index_cast %mul3A_463 : i32 to index
          %get3A_469 = tpu.vector_load %arg4[%get3A_466, %get3A_467, %get3A_468] {strides = array<i32>} : memref<2x32x800xf32, #tpu.memory_space<vmem>>, vector<16xf32>,
          %mul3A_470 = arith.constant 16 : i32
          %mul3A_471 = arith.muli %scan3A_219, %mul3A_470 : i32
          %get3A_472 = arith.constant 0 : i32
          %get3A_473 = arith.constant 21 : i32
          %get3A_474 = arith.index_cast %get3A_472 : i32 to index
          %get3A_475 = arith.index_cast %get3A_473 : i32 to index
          %get3A_476 = arith.index_cast %mul3A_471 : i32 to index
          %get3A_477 = tpu.vector_load %arg4[%get3A_474, %get3A_475, %get3A_476] {strides = array<i32>} : memref<2x32x800xf32, #tpu.memory_space<vmem>>, vector<16xf32>,
          %mul3A_478 = arith.constant 16 : i32
          %mul3A_479 = arith.muli %scan3A_219, %mul3A_478 : i32
          %get3A_480 = arith.constant 0 : i32
          %get3A_481 = arith.constant 22 : i32
          %get3A_482 = arith.index_cast %get3A_480 : i32 to index
          %get3A_483 = arith.index_cast %get3A_481 : i32 to index
          %get3A_484 = arith.index_cast %mul3A_479 : i32 to index
          %get3A_485 = tpu.vector_load %arg4[%get3A_482, %get3A_483, %get3A_484] {strides = array<i32>} : memref<2x32x800xf32, #tpu.memory_space<vmem>>, vector<16xf32>,
          %mul3A_486 = arith.constant 16 : i32
          %mul3A_487 = arith.muli %scan3A_219, %mul3A_486 : i32
          %get3A_488 = arith.constant 0 : i32
          %get3A_489 = arith.constant 23 : i32
          %get3A_490 = arith.index_cast %get3A_488 : i32 to index
          %get3A_491 = arith.index_cast %get3A_489 : i32 to index
          %get3A_492 = arith.index_cast %mul3A_487 : i32 to index
          %get3A_493 = tpu.vector_load %arg4[%get3A_490, %get3A_491, %get3A_492] {strides = array<i32>} : memref<2x32x800xf32, #tpu.memory_space<vmem>>, vector<16xf32>,
          %mul3A_494 = arith.constant 16 : i32
          %mul3A_495 = arith.muli %scan3A_219, %mul3A_494 : i32
          %get3A_496 = arith.constant 0 : i32
          %get3A_497 = arith.constant 24 : i32
          %get3A_498 = arith.index_cast %get3A_496 : i32 to index
          %get3A_499 = arith.index_cast %get3A_497 : i32 to index
          %get3A_500 = arith.index_cast %mul3A_495 : i32 to index
          %get3A_501 = tpu.vector_load %arg4[%get3A_498, %get3A_499, %get3A_500] {strides = array<i32>} : memref<2x32x800xf32, #tpu.memory_space<vmem>>, vector<16xf32>,
          %mul3A_502 = arith.constant 16 : i32
          %mul3A_503 = arith.muli %scan3A_219, %mul3A_502 : i32
          %get3A_504 = arith.constant 0 : i32
          %get3A_505 = arith.constant 25 : i32
          %get3A_506 = arith.index_cast %get3A_504 : i32 to index
          %get3A_507 = arith.index_cast %get3A_505 : i32 to index
          %get3A_508 = arith.index_cast %mul3A_503 : i32 to index
          %get3A_509 = tpu.vector_load %arg4[%get3A_506, %get3A_507, %get3A_508] {strides = array<i32>} : memref<2x32x800xf32, #tpu.memory_space<vmem>>, vector<16xf32>,
          %mul3A_510 = arith.constant 16 : i32
          %mul3A_511 = arith.muli %scan3A_219, %mul3A_510 : i32
          %get3A_512 = arith.constant 0 : i32
          %get3A_513 = arith.constant 26 : i32
          %get3A_514 = arith.index_cast %get3A_512 : i32 to index
          %get3A_515 = arith.index_cast %get3A_513 : i32 to index
          %get3A_516 = arith.index_cast %mul3A_511 : i32 to index
          %get3A_517 = tpu.vector_load %arg4[%get3A_514, %get3A_515, %get3A_516] {strides = array<i32>} : memref<2x32x800xf32, #tpu.memory_space<vmem>>, vector<16xf32>,
          %mul3A_518 = arith.constant 16 : i32
          %mul3A_519 = arith.muli %scan3A_219, %mul3A_518 : i32
          %get3A_520 = arith.constant 0 : i32
          %get3A_521 = arith.constant 27 : i32
          %get3A_522 = arith.index_cast %get3A_520 : i32 to index
          %get3A_523 = arith.index_cast %get3A_521 : i32 to index
          %get3A_524 = arith.index_cast %mul3A_519 : i32 to index
          %get3A_525 = tpu.vector_load %arg4[%get3A_522, %get3A_523, %get3A_524] {strides = array<i32>} : memref<2x32x800xf32, #tpu.memory_space<vmem>>, vector<16xf32>,
          %mul3A_526 = arith.constant 16 : i32
          %mul3A_527 = arith.muli %scan3A_219, %mul3A_526 : i32
          %get3A_528 = arith.constant 0 : i32
          %get3A_529 = arith.constant 28 : i32
          %get3A_530 = arith.index_cast %get3A_528 : i32 to index
          %get3A_531 = arith.index_cast %get3A_529 : i32 to index
          %get3A_532 = arith.index_cast %mul3A_527 : i32 to index
          %get3A_533 = tpu.vector_load %arg4[%get3A_530, %get3A_531, %get3A_532] {strides = array<i32>} : memref<2x32x800xf32, #tpu.memory_space<vmem>>, vector<16xf32>,
          %mul3A_534 = arith.constant 16 : i32
          %mul3A_535 = arith.muli %scan3A_219, %mul3A_534 : i32
          %get3A_536 = arith.constant 0 : i32
          %get3A_537 = arith.constant 29 : i32
          %get3A_538 = arith.index_cast %get3A_536 : i32 to index
          %get3A_539 = arith.index_cast %get3A_537 : i32 to index
          %get3A_540 = arith.index_cast %mul3A_535 : i32 to index
          %get3A_541 = tpu.vector_load %arg4[%get3A_538, %get3A_539, %get3A_540] {strides = array<i32>} : memref<2x32x800xf32, #tpu.memory_space<vmem>>, vector<16xf32>,
          %mul3A_542 = arith.constant 16 : i32
          %mul3A_543 = arith.muli %scan3A_219, %mul3A_542 : i32
          %get3A_544 = arith.constant 0 : i32
          %get3A_545 = arith.constant 30 : i32
          %get3A_546 = arith.index_cast %get3A_544 : i32 to index
          %get3A_547 = arith.index_cast %get3A_545 : i32 to index
          %get3A_548 = arith.index_cast %mul3A_543 : i32 to index
          %get3A_549 = tpu.vector_load %arg4[%get3A_546, %get3A_547, %get3A_548] {strides = array<i32>} : memref<2x32x800xf32, #tpu.memory_space<vmem>>, vector<16xf32>,
          %mul3A_550 = arith.constant 16 : i32
          %mul3A_551 = arith.muli %scan3A_219, %mul3A_550 : i32
          %get3A_552 = arith.constant 0 : i32
          %get3A_553 = arith.constant 31 : i32
          %get3A_554 = arith.index_cast %get3A_552 : i32 to index
          %get3A_555 = arith.index_cast %get3A_553 : i32 to index
          %get3A_556 = arith.index_cast %mul3A_551 : i32 to index
          %get3A_557 = tpu.vector_load %arg4[%get3A_554, %get3A_555, %get3A_556] {strides = array<i32>} : memref<2x32x800xf32, #tpu.memory_space<vmem>>, vector<16xf32>,
          %scatter3A_558 = arith.constant 0 : i32
          %scatter3A_559 = arith.constant 0 : i32
          %scatter3A_560 = arith.constant 0 : i32
          %scatter3A_561 = tpu.memref_slice %arg5[%scatter3A_558, %scatter3A_559, %scatter3A_560] : memref<2x800x33xf32, #tpu.memory_space<vmem>> -> memref<1x800x33xf32, #tpu.memory_space<vmem>>
          %scatter3A_562 = tpu.memref_squeeze %scatter3A_561 : memref<1x800x33xf32, #tpu.memory_space<vmem>> -> memref<800x33xf32, #tpu.memory_space<vmem>>
          tpu.vector_store_idx %scatter3A_562[%add3A_223, %broadcast_in_dim3A_35], %get3A_437 : memref<800x33xf32, #tpu.memory_space<vmem>>[vector<16xi32>, vector<16xi32>], vector<16xf32>,
          %scatter3A_563 = arith.constant 0 : i32
          %scatter3A_564 = arith.constant 0 : i32
          %scatter3A_565 = arith.constant 0 : i32
          %scatter3A_566 = tpu.memref_slice %arg5[%scatter3A_563, %scatter3A_564, %scatter3A_565] : memref<2x800x33xf32, #tpu.memory_space<vmem>> -> memref<1x800x33xf32, #tpu.memory_space<vmem>>
          %scatter3A_567 = tpu.memref_squeeze %scatter3A_566 : memref<1x800x33xf32, #tpu.memory_space<vmem>> -> memref<800x33xf32, #tpu.memory_space<vmem>>
          tpu.vector_store_idx %scatter3A_567[%add3A_223, %broadcast_in_dim3A_37], %get3A_445 : memref<800x33xf32, #tpu.memory_space<vmem>>[vector<16xi32>, vector<16xi32>], vector<16xf32>,
          %scatter3A_568 = arith.constant 0 : i32
          %scatter3A_569 = arith.constant 0 : i32
          %scatter3A_570 = arith.constant 0 : i32
          %scatter3A_571 = tpu.memref_slice %arg5[%scatter3A_568, %scatter3A_569, %scatter3A_570] : memref<2x800x33xf32, #tpu.memory_space<vmem>> -> memref<1x800x33xf32, #tpu.memory_space<vmem>>
          %scatter3A_572 = tpu.memref_squeeze %scatter3A_571 : memref<1x800x33xf32, #tpu.memory_space<vmem>> -> memref<800x33xf32, #tpu.memory_space<vmem>>
          tpu.vector_store_idx %scatter3A_572[%add3A_223, %broadcast_in_dim3A_39], %get3A_453 : memref<800x33xf32, #tpu.memory_space<vmem>>[vector<16xi32>, vector<16xi32>], vector<16xf32>,
          %scatter3A_573 = arith.constant 0 : i32
          %scatter3A_574 = arith.constant 0 : i32
          %scatter3A_575 = arith.constant 0 : i32
          %scatter3A_576 = tpu.memref_slice %arg5[%scatter3A_573, %scatter3A_574, %scatter3A_575] : memref<2x800x33xf32, #tpu.memory_space<vmem>> -> memref<1x800x33xf32, #tpu.memory_space<vmem>>
          %scatter3A_577 = tpu.memref_squeeze %scatter3A_576 : memref<1x800x33xf32, #tpu.memory_space<vmem>> -> memref<800x33xf32, #tpu.memory_space<vmem>>
          tpu.vector_store_idx %scatter3A_577[%add3A_223, %broadcast_in_dim3A_41], %get3A_461 : memref<800x33xf32, #tpu.memory_space<vmem>>[vector<16xi32>, vector<16xi32>], vector<16xf32>,
          %scatter3A_578 = arith.constant 0 : i32
          %scatter3A_579 = arith.constant 0 : i32
          %scatter3A_580 = arith.constant 0 : i32
          %scatter3A_581 = tpu.memref_slice %arg5[%scatter3A_578, %scatter3A_579, %scatter3A_580] : memref<2x800x33xf32, #tpu.memory_space<vmem>> -> memref<1x800x33xf32, #tpu.memory_space<vmem>>
          %scatter3A_582 = tpu.memref_squeeze %scatter3A_581 : memref<1x800x33xf32, #tpu.memory_space<vmem>> -> memref<800x33xf32, #tpu.memory_space<vmem>>
          tpu.vector_store_idx %scatter3A_582[%add3A_223, %broadcast_in_dim3A_43], %get3A_469 : memref<800x33xf32, #tpu.memory_space<vmem>>[vector<16xi32>, vector<16xi32>], vector<16xf32>,
          %scatter3A_583 = arith.constant 0 : i32
          %scatter3A_584 = arith.constant 0 : i32
          %scatter3A_585 = arith.constant 0 : i32
          %scatter3A_586 = tpu.memref_slice %arg5[%scatter3A_583, %scatter3A_584, %scatter3A_585] : memref<2x800x33xf32, #tpu.memory_space<vmem>> -> memref<1x800x33xf32, #tpu.memory_space<vmem>>
          %scatter3A_587 = tpu.memref_squeeze %scatter3A_586 : memref<1x800x33xf32, #tpu.memory_space<vmem>> -> memref<800x33xf32, #tpu.memory_space<vmem>>
          tpu.vector_store_idx %scatter3A_587[%add3A_223, %broadcast_in_dim3A_45], %get3A_477 : memref<800x33xf32, #tpu.memory_space<vmem>>[vector<16xi32>, vector<16xi32>], vector<16xf32>,
          %scatter3A_588 = arith.constant 0 : i32
          %scatter3A_589 = arith.constant 0 : i32
          %scatter3A_590 = arith.constant 0 : i32
          %scatter3A_591 = tpu.memref_slice %arg5[%scatter3A_588, %scatter3A_589, %scatter3A_590] : memref<2x800x33xf32, #tpu.memory_space<vmem>> -> memref<1x800x33xf32, #tpu.memory_space<vmem>>
          %scatter3A_592 = tpu.memref_squeeze %scatter3A_591 : memref<1x800x33xf32, #tpu.memory_space<vmem>> -> memref<800x33xf32, #tpu.memory_space<vmem>>
          tpu.vector_store_idx %scatter3A_592[%add3A_223, %broadcast_in_dim3A_47], %get3A_485 : memref<800x33xf32, #tpu.memory_space<vmem>>[vector<16xi32>, vector<16xi32>], vector<16xf32>,
          %scatter3A_593 = arith.constant 0 : i32
          %scatter3A_594 = arith.constant 0 : i32
          %scatter3A_595 = arith.constant 0 : i32
          %scatter3A_596 = tpu.memref_slice %arg5[%scatter3A_593, %scatter3A_594, %scatter3A_595] : memref<2x800x33xf32, #tpu.memory_space<vmem>> -> memref<1x800x33xf32, #tpu.memory_space<vmem>>
          %scatter3A_597 = tpu.memref_squeeze %scatter3A_596 : memref<1x800x33xf32, #tpu.memory_space<vmem>> -> memref<800x33xf32, #tpu.memory_space<vmem>>
          tpu.vector_store_idx %scatter3A_597[%add3A_223, %broadcast_in_dim3A_49], %get3A_493 : memref<800x33xf32, #tpu.memory_space<vmem>>[vector<16xi32>, vector<16xi32>], vector<16xf32>,
          %scatter3A_598 = arith.constant 0 : i32
          %scatter3A_599 = arith.constant 0 : i32
          %scatter3A_600 = arith.constant 0 : i32
          %scatter3A_601 = tpu.memref_slice %arg5[%scatter3A_598, %scatter3A_599, %scatter3A_600] : memref<2x800x33xf32, #tpu.memory_space<vmem>> -> memref<1x800x33xf32, #tpu.memory_space<vmem>>
          %scatter3A_602 = tpu.memref_squeeze %scatter3A_601 : memref<1x800x33xf32, #tpu.memory_space<vmem>> -> memref<800x33xf32, #tpu.memory_space<vmem>>
          tpu.vector_store_idx %scatter3A_602[%add3A_223, %broadcast_in_dim3A_51], %get3A_501 : memref<800x33xf32, #tpu.memory_space<vmem>>[vector<16xi32>, vector<16xi32>], vector<16xf32>,
          %scatter3A_603 = arith.constant 0 : i32
          %scatter3A_604 = arith.constant 0 : i32
          %scatter3A_605 = arith.constant 0 : i32
          %scatter3A_606 = tpu.memref_slice %arg5[%scatter3A_603, %scatter3A_604, %scatter3A_605] : memref<2x800x33xf32, #tpu.memory_space<vmem>> -> memref<1x800x33xf32, #tpu.memory_space<vmem>>
          %scatter3A_607 = tpu.memref_squeeze %scatter3A_606 : memref<1x800x33xf32, #tpu.memory_space<vmem>> -> memref<800x33xf32, #tpu.memory_space<vmem>>
          tpu.vector_store_idx %scatter3A_607[%add3A_223, %broadcast_in_dim3A_53], %get3A_509 : memref<800x33xf32, #tpu.memory_space<vmem>>[vector<16xi32>, vector<16xi32>], vector<16xf32>,
          %scatter3A_608 = arith.constant 0 : i32
          %scatter3A_609 = arith.constant 0 : i32
          %scatter3A_610 = arith.constant 0 : i32
          %scatter3A_611 = tpu.memref_slice %arg5[%scatter3A_608, %scatter3A_609, %scatter3A_610] : memref<2x800x33xf32, #tpu.memory_space<vmem>> -> memref<1x800x33xf32, #tpu.memory_space<vmem>>
          %scatter3A_612 = tpu.memref_squeeze %scatter3A_611 : memref<1x800x33xf32, #tpu.memory_space<vmem>> -> memref<800x33xf32, #tpu.memory_space<vmem>>
          tpu.vector_store_idx %scatter3A_612[%add3A_223, %broadcast_in_dim3A_55], %get3A_517 : memref<800x33xf32, #tpu.memory_space<vmem>>[vector<16xi32>, vector<16xi32>], vector<16xf32>,
          %scatter3A_613 = arith.constant 0 : i32
          %scatter3A_614 = arith.constant 0 : i32
          %scatter3A_615 = arith.constant 0 : i32
          %scatter3A_616 = tpu.memref_slice %arg5[%scatter3A_613, %scatter3A_614, %scatter3A_615] : memref<2x800x33xf32, #tpu.memory_space<vmem>> -> memref<1x800x33xf32, #tpu.memory_space<vmem>>
          %scatter3A_617 = tpu.memref_squeeze %scatter3A_616 : memref<1x800x33xf32, #tpu.memory_space<vmem>> -> memref<800x33xf32, #tpu.memory_space<vmem>>
          tpu.vector_store_idx %scatter3A_617[%add3A_223, %broadcast_in_dim3A_57], %get3A_525 : memref<800x33xf32, #tpu.memory_space<vmem>>[vector<16xi32>, vector<16xi32>], vector<16xf32>,
          %scatter3A_618 = arith.constant 0 : i32
          %scatter3A_619 = arith.constant 0 : i32
          %scatter3A_620 = arith.constant 0 : i32
          %scatter3A_621 = tpu.memref_slice %arg5[%scatter3A_618, %scatter3A_619, %scatter3A_620] : memref<2x800x33xf32, #tpu.memory_space<vmem>> -> memref<1x800x33xf32, #tpu.memory_space<vmem>>
          %scatter3A_622 = tpu.memref_squeeze %scatter3A_621 : memref<1x800x33xf32, #tpu.memory_space<vmem>> -> memref<800x33xf32, #tpu.memory_space<vmem>>
          tpu.vector_store_idx %scatter3A_622[%add3A_223, %broadcast_in_dim3A_59], %get3A_533 : memref<800x33xf32, #tpu.memory_space<vmem>>[vector<16xi32>, vector<16xi32>], vector<16xf32>,
          %scatter3A_623 = arith.constant 0 : i32
          %scatter3A_624 = arith.constant 0 : i32
          %scatter3A_625 = arith.constant 0 : i32
          %scatter3A_626 = tpu.memref_slice %arg5[%scatter3A_623, %scatter3A_624, %scatter3A_625] : memref<2x800x33xf32, #tpu.memory_space<vmem>> -> memref<1x800x33xf32, #tpu.memory_space<vmem>>
          %scatter3A_627 = tpu.memref_squeeze %scatter3A_626 : memref<1x800x33xf32, #tpu.memory_space<vmem>> -> memref<800x33xf32, #tpu.memory_space<vmem>>
          tpu.vector_store_idx %scatter3A_627[%add3A_223, %broadcast_in_dim3A_61], %get3A_541 : memref<800x33xf32, #tpu.memory_space<vmem>>[vector<16xi32>, vector<16xi32>], vector<16xf32>,
          %scatter3A_628 = arith.constant 0 : i32
          %scatter3A_629 = arith.constant 0 : i32
          %scatter3A_630 = arith.constant 0 : i32
          %scatter3A_631 = tpu.memref_slice %arg5[%scatter3A_628, %scatter3A_629, %scatter3A_630] : memref<2x800x33xf32, #tpu.memory_space<vmem>> -> memref<1x800x33xf32, #tpu.memory_space<vmem>>
          %scatter3A_632 = tpu.memref_squeeze %scatter3A_631 : memref<1x800x33xf32, #tpu.memory_space<vmem>> -> memref<800x33xf32, #tpu.memory_space<vmem>>
          tpu.vector_store_idx %scatter3A_632[%add3A_223, %broadcast_in_dim3A_63], %get3A_549 : memref<800x33xf32, #tpu.memory_space<vmem>>[vector<16xi32>, vector<16xi32>], vector<16xf32>,
          %scatter3A_633 = arith.constant 0 : i32
          %scatter3A_634 = arith.constant 0 : i32
          %scatter3A_635 = arith.constant 0 : i32
          %scatter3A_636 = tpu.memref_slice %arg5[%scatter3A_633, %scatter3A_634, %scatter3A_635] : memref<2x800x33xf32, #tpu.memory_space<vmem>> -> memref<1x800x33xf32, #tpu.memory_space<vmem>>
          %scatter3A_637 = tpu.memref_squeeze %scatter3A_636 : memref<1x800x33xf32, #tpu.memory_space<vmem>> -> memref<800x33xf32, #tpu.memory_space<vmem>>
          tpu.vector_store_idx %scatter3A_637[%add3A_223, %broadcast_in_dim3A_65], %get3A_557 : memref<800x33xf32, #tpu.memory_space<vmem>>[vector<16xi32>, vector<16xi32>], vector<16xf32>,
        }
        %scan3A_170 = arith.constant 50 : i32
        %jit3A = arith.constant 125 : i32
        %div3A = arith.divsi %add3A_107, %jit3A : i32
        %sign3A = arith.constant 0 : i32
        %sign3A_171 = arith.cmpi sgt, %add3A_107, %sign3A : i32
        %sign3A_172 = arith.extui %sign3A_171 : i1 to i32
        %sign3A_173 = arith.constant 0 : i32
        %sign3A_174 = arith.cmpi slt, %add3A_107, %sign3A_173 : i32
        %sign3A_175 = arith.extui %sign3A_174 : i1 to i32
        %sign3A_176 = arith.subi %sign3A_172, %sign3A_175 : i32
        %sign3A_177 = arith.constant 0 : i32
        %sign3A_178 = arith.cmpi sgt, %jit3A, %sign3A_177 : i32
        %sign3A_179 = arith.extui %sign3A_178 : i1 to i32
        %sign3A_180 = arith.constant 0 : i32
        %sign3A_181 = arith.cmpi slt, %jit3A, %sign3A_180 : i32
        %sign3A_182 = arith.extui %sign3A_181 : i1 to i32
        %sign3A_183 = arith.subi %sign3A_179, %sign3A_182 : i32
        %ne3A = arith.cmpi ne, %sign3A_176, %sign3A_183 : i32
        %rem3A = arith.remsi %add3A_107, %jit3A : i32
        %ne3A_184 = arith.constant 0 : i32
        %ne3A_185 = arith.cmpi ne, %rem3A, %ne3A_184 : i32
        %and3A = arith.andi %ne3A, %ne3A_185 : i1
        %sub3A = arith.constant 1 : i32
        %sub3A_186 = arith.subi %div3A, %sub3A : i32
        %select_n3A = arith.select %and3A, %sub3A_186, %div3A : i32
        %jit3A_187 = arith.constant 125 : i32
        %eq3A = arith.constant 0 : i32
        %eq3A_188 = arith.cmpi eq, %jit3A_187, %eq3A : i32
        %jit3A_189 = arith.constant 1 : i32
        %select_n3A_190 = arith.select %eq3A_188, %jit3A_189, %jit3A_187 : i32
        %rem3A_191 = arith.remsi %add3A_107, %select_n3A_190 : i32
        %ne3A_192 = arith.constant 0 : i32
        %ne3A_193 = arith.cmpi ne, %rem3A_191, %ne3A_192 : i32
        %lt3A_194 = arith.constant 0 : i32
        %lt3A_195 = arith.cmpi slt, %rem3A_191, %lt3A_194 : i32
        %lt3A_196 = arith.constant 0 : i32
        %lt3A_197 = arith.cmpi slt, %select_n3A_190, %lt3A_196 : i32
        %ne3A_198 = arith.xori %lt3A_195, %lt3A_197 : i1
        %and3A_199 = arith.andi %ne3A_198, %ne3A_193 : i1
        %add3A_200 = arith.addi %rem3A_191, %select_n3A_190 : i32
        %select_n3A_201 = arith.select %and3A_199, %add3A_200, %rem3A_191 : i32
        %mul3A_202 = arith.constant 800 : i32
        %mul3A_203 = arith.muli %select_n3A_201, %mul3A_202 : i32
        %mul3A_204 = arith.constant 100000 : i32
        %mul3A_205 = arith.muli %select_n3A, %mul3A_204 : i32
        %add3A_206 = arith.addi %mul3A_205, %mul3A_203 : i32
        %dma_start3A = arith.constant 0 : i32
        %dma_start3A_207 = arith.constant 0 : i32
        %dma_start3A_208 = arith.constant 0 : i32
        %dma_start3A_209 = tpu.memref_slice %arg5[%dma_start3A, %dma_start3A_207, %dma_start3A_208] : memref<2x800x33xf32, #tpu.memory_space<vmem>> -> memref<1x800x32xf32, #tpu.memory_space<vmem>>
        %dma_start3A_210 = tpu.memref_squeeze %dma_start3A_209 : memref<1x800x32xf32, #tpu.memory_space<vmem>> -> memref<800x32xf32, #tpu.memory_space<vmem>>
        %dma_start3A_211 = arith.constant 0 : i32
        %dma_start3A_212 = tpu.memref_slice %arg3[%add3A_206, %dma_start3A_211] : memref<2600000x32xf32, #tpu.memory_space<hbm>> -> memref<800x32xf32, #tpu.memory_space<hbm>>
        %dma_start3A_213 = arith.constant 0 : i32
        %dma_start3A_214 = tpu.memref_slice %arg3[%add3A_206, %dma_start3A_213] : memref<2600000x32xf32, #tpu.memory_space<hbm>> -> memref<800x32xf32, #tpu.memory_space<hbm>>
        %dma_start3A_215 = arith.constant 0 : i32
        %dma_start3A_216 = arith.constant 0 : i32
        %dma_start3A_217 = tpu.memref_slice %arg5[%dma_start3A, %dma_start3A_215, %dma_start3A_216] : memref<2x800x33xf32, #tpu.memory_space<vmem>> -> memref<1x800x32xf32, #tpu.memory_space<vmem>>
        %dma_start3A_218 = tpu.memref_squeeze %dma_start3A_217 : memref<1x800x32xf32, #tpu.memory_space<vmem>> -> memref<800x32xf32, #tpu.memory_space<vmem>>
        tpu.enqueue_dma source(%dma_start3A_218 : memref<800x32xf32, #tpu.memory_space<vmem>>) target(%dma_start3A_214 : memref<800x32xf32, #tpu.memory_space<hbm>>) target_semaphore(%arg8 : memref<!tpu.dma_semaphore, #tpu.memory_space<semaphore_mem>>)
      } else {
      }
      %mul3A_122 = arith.constant 2 : i32
      %mul3A_123 = arith.muli %mul3A_122, %scan3A_102 : i32
      %add3A_124 = arith.addi %mul3A_2, %mul3A_123 : i32
      %add3A_125 = arith.constant 1 : i32
      %add3A_126 = arith.addi %add3A_124, %add3A_125 : i32
      %add3A_127 = arith.constant 1 : i32
      %add3A_128 = arith.addi %add3A_126, %add3A_127 : i32
      %add3A_129 = arith.constant 102 : i32
      %add3A_130 = arith.addi %mul3A_2, %add3A_129 : i32
      %min3A_131 = arith.constant 3250 : i32
      %min3A_132 = arith.minsi %add3A_130, %min3A_131 : i32
      %lt3A_133 = arith.cmpi slt, %add3A_128, %min3A_132 : i32
      %convert_element_type3A_134 = arith.extui %lt3A_133 : i1 to i32
      %cond3A_135 = arith.constant 0 : i32
      %cond3A_136 = arith.cmpi ne, %convert_element_type3A_134, %cond3A_135 : i32
      scf.if %cond3A_136 {
        %add3A_142 = arith.constant 1 : i32
        %add3A_143 = arith.addi %add3A_126, %add3A_142 : i32
        %jit3A = arith.constant 125 : i32
        %div3A = arith.divsi %add3A_143, %jit3A : i32
        %sign3A = arith.constant 0 : i32
        %sign3A_144 = arith.cmpi sgt, %add3A_143, %sign3A : i32
        %sign3A_145 = arith.extui %sign3A_144 : i1 to i32
        %sign3A_146 = arith.constant 0 : i32
        %sign3A_147 = arith.cmpi slt, %add3A_143, %sign3A_146 : i32
        %sign3A_148 = arith.extui %sign3A_147 : i1 to i32
        %sign3A_149 = arith.subi %sign3A_145, %sign3A_148 : i32
        %sign3A_150 = arith.constant 0 : i32
        %sign3A_151 = arith.cmpi sgt, %jit3A, %sign3A_150 : i32
        %sign3A_152 = arith.extui %sign3A_151 : i1 to i32
        %sign3A_153 = arith.constant 0 : i32
        %sign3A_154 = arith.cmpi slt, %jit3A, %sign3A_153 : i32
        %sign3A_155 = arith.extui %sign3A_154 : i1 to i32
        %sign3A_156 = arith.subi %sign3A_152, %sign3A_155 : i32
        %ne3A = arith.cmpi ne, %sign3A_149, %sign3A_156 : i32
        %rem3A = arith.remsi %add3A_143, %jit3A : i32
        %ne3A_157 = arith.constant 0 : i32
        %ne3A_158 = arith.cmpi ne, %rem3A, %ne3A_157 : i32
        %and3A = arith.andi %ne3A, %ne3A_158 : i1
        %sub3A = arith.constant 1 : i32
        %sub3A_159 = arith.subi %div3A, %sub3A : i32
        %select_n3A = arith.select %and3A, %sub3A_159, %div3A : i32
        %jit3A_160 = arith.constant 125 : i32
        %eq3A = arith.constant 0 : i32
        %eq3A_161 = arith.cmpi eq, %jit3A_160, %eq3A : i32
        %jit3A_162 = arith.constant 1 : i32
        %select_n3A_163 = arith.select %eq3A_161, %jit3A_162, %jit3A_160 : i32
        %rem3A_164 = arith.remsi %add3A_143, %select_n3A_163 : i32
        %ne3A_165 = arith.constant 0 : i32
        %ne3A_166 = arith.cmpi ne, %rem3A_164, %ne3A_165 : i32
        %lt3A_167 = arith.constant 0 : i32
        %lt3A_168 = arith.cmpi slt, %rem3A_164, %lt3A_167 : i32
        %lt3A_169 = arith.constant 0 : i32
        %lt3A_170 = arith.cmpi slt, %select_n3A_163, %lt3A_169 : i32
        %ne3A_171 = arith.xori %lt3A_168, %lt3A_170 : i1
        %and3A_172 = arith.andi %ne3A_171, %ne3A_166 : i1
        %add3A_173 = arith.addi %rem3A_164, %select_n3A_163 : i32
        %select_n3A_174 = arith.select %and3A_172, %add3A_173, %rem3A_164 : i32
        %mul3A_175 = arith.constant 800 : i32
        %mul3A_176 = arith.muli %select_n3A_174, %mul3A_175 : i32
        %dma_start3A = arith.constant 0 : i32
        %dma_start3A_177 = arith.constant 0 : i32
        %dma_start3A_178 = arith.constant 0 : i32
        %dma_start3A_179 = tpu.memref_slice %arg4[%dma_start3A, %dma_start3A_177, %dma_start3A_178] : memref<2x32x800xf32, #tpu.memory_space<vmem>> -> memref<1x32x800xf32, #tpu.memory_space<vmem>>
        %dma_start3A_180 = tpu.memref_squeeze %dma_start3A_179 : memref<1x32x800xf32, #tpu.memory_space<vmem>> -> memref<32x800xf32, #tpu.memory_space<vmem>>
        %dma_start3A_181 = arith.constant 0 : i32
        %dma_start3A_182 = tpu.memref_slice %arg2[%select_n3A, %dma_start3A_181, %mul3A_176] : memref<26x32x100000xf32, #tpu.memory_space<hbm>> -> memref<1x32x800xf32, #tpu.memory_space<hbm>>
        %dma_start3A_183 = tpu.memref_squeeze %dma_start3A_182 : memref<1x32x800xf32, #tpu.memory_space<hbm>> -> memref<32x800xf32, #tpu.memory_space<hbm>>
        %dma_start3A_184 = arith.constant 0 : i32
        %dma_start3A_185 = arith.constant 0 : i32
        %dma_start3A_186 = tpu.memref_slice %arg4[%dma_start3A, %dma_start3A_184, %dma_start3A_185] : memref<2x32x800xf32, #tpu.memory_space<vmem>> -> memref<1x32x800xf32, #tpu.memory_space<vmem>>
        %dma_start3A_187 = tpu.memref_squeeze %dma_start3A_186 : memref<1x32x800xf32, #tpu.memory_space<vmem>> -> memref<32x800xf32, #tpu.memory_space<vmem>>
        %dma_start3A_188 = arith.constant 0 : i32
        %dma_start3A_189 = tpu.memref_slice %arg2[%select_n3A, %dma_start3A_188, %mul3A_176] : memref<26x32x100000xf32, #tpu.memory_space<hbm>> -> memref<1x32x800xf32, #tpu.memory_space<hbm>>
        %dma_start3A_190 = tpu.memref_squeeze %dma_start3A_189 : memref<1x32x800xf32, #tpu.memory_space<hbm>> -> memref<32x800xf32, #tpu.memory_space<hbm>>
        tpu.enqueue_dma source(%dma_start3A_190 : memref<32x800xf32, #tpu.memory_space<hbm>>) target(%dma_start3A_187 : memref<32x800xf32, #tpu.memory_space<vmem>>) target_semaphore(%arg6 : memref<!tpu.dma_semaphore, #tpu.memory_space<semaphore_mem>>)
      } else {
      }
      %lt3A_137 = arith.constant 3250 : i32
      %lt3A_138 = arith.cmpi slt, %add3A_126, %lt3A_137 : i32
      %convert_element_type3A_139 = arith.extui %lt3A_138 : i1 to i32
      %cond3A_140 = arith.constant 0 : i32
      %cond3A_141 = arith.cmpi ne, %convert_element_type3A_139, %cond3A_140 : i32
      scf.if %cond3A_141 {
        %dma_wait3A_142 = arith.constant 0 : i32
        %dma_wait3A_143 = arith.constant 1 : i32
        %dma_wait3A_144 = arith.constant 0 : i32
        %dma_wait3A_145 = arith.constant 0 : i32
        %dma_wait3A_146 = tpu.memref_slice %arg4[%dma_wait3A_143, %dma_wait3A_144, %dma_wait3A_145] : memref<2x32x800xf32, #tpu.memory_space<vmem>> -> memref<1x32x800xf32, #tpu.memory_space<vmem>>
        %dma_wait3A_147 = tpu.memref_squeeze %dma_wait3A_146 : memref<1x32x800xf32, #tpu.memory_space<vmem>> -> memref<32x800xf32, #tpu.memory_space<vmem>>
        %dma_wait3A_148 = arith.constant 0 : i32
        %dma_wait3A_149 = arith.constant 0 : i32
        %dma_wait3A_150 = tpu.memref_slice %arg2[%dma_wait3A_142, %dma_wait3A_148, %dma_wait3A_149] : memref<26x32x100000xf32, #tpu.memory_space<hbm>> -> memref<1x32x800xf32, #tpu.memory_space<hbm>>
        %dma_wait3A_151 = tpu.memref_squeeze %dma_wait3A_150 : memref<1x32x800xf32, #tpu.memory_space<hbm>> -> memref<32x800xf32, #tpu.memory_space<hbm>>
        %dma_wait3A_152 = arith.constant 0 : i32
        %dma_wait3A_153 = arith.constant 0 : i32
        %dma_wait3A_154 = tpu.memref_slice %arg4[%dma_wait3A_143, %dma_wait3A_152, %dma_wait3A_153] : memref<2x32x800xf32, #tpu.memory_space<vmem>> -> memref<1x32x800xf32, #tpu.memory_space<vmem>>
        %dma_wait3A_155 = tpu.memref_squeeze %dma_wait3A_154 : memref<1x32x800xf32, #tpu.memory_space<vmem>> -> memref<32x800xf32, #tpu.memory_space<vmem>>
        %dma_wait3A_156 = arith.constant 0 : i32
        %dma_wait3A_157 = arith.constant 0 : i32
        %dma_wait3A_158 = tpu.memref_slice %arg2[%dma_wait3A_142, %dma_wait3A_156, %dma_wait3A_157] : memref<26x32x100000xf32, #tpu.memory_space<hbm>> -> memref<1x32x800xf32, #tpu.memory_space<hbm>>
        %dma_wait3A_159 = tpu.memref_squeeze %dma_wait3A_158 : memref<1x32x800xf32, #tpu.memory_space<hbm>> -> memref<32x800xf32, #tpu.memory_space<hbm>>
        tpu.wait_dma2 semaphore(%arg7 : memref<!tpu.dma_semaphore, #tpu.memory_space<semaphore_mem>>) src(%dma_wait3A_159 : memref<32x800xf32, #tpu.memory_space<hbm>>) dst(%dma_wait3A_155 : memref<32x800xf32, #tpu.memory_space<vmem>>)
        %add3A_160 = arith.constant 2 : i32
        %add3A_161 = arith.addi %mul3A_2, %add3A_160 : i32
        %ge3A = arith.cmpi sge, %add3A_126, %add3A_161 : i32
        %convert_element_type3A_162 = arith.extui %ge3A : i1 to i32
        %cond3A_163 = arith.constant 0 : i32
        %cond3A_164 = arith.cmpi ne, %convert_element_type3A_162, %cond3A_163 : i32
        scf.if %cond3A_164 {
          %dma_wait3A_219 = arith.constant 1 : i32
          %dma_wait3A_220 = arith.constant 0 : i32
          %dma_wait3A_221 = arith.constant 0 : i32
          %dma_wait3A_222 = tpu.memref_slice %arg5[%dma_wait3A_219, %dma_wait3A_220, %dma_wait3A_221] : memref<2x800x33xf32, #tpu.memory_space<vmem>> -> memref<1x800x32xf32, #tpu.memory_space<vmem>>
          %dma_wait3A_223 = tpu.memref_squeeze %dma_wait3A_222 : memref<1x800x32xf32, #tpu.memory_space<vmem>> -> memref<800x32xf32, #tpu.memory_space<vmem>>
          %dma_wait3A_224 = arith.constant 0 : i32
          %dma_wait3A_225 = arith.constant 0 : i32
          %dma_wait3A_226 = tpu.memref_slice %arg3[%dma_wait3A_224, %dma_wait3A_225] : memref<2600000x32xf32, #tpu.memory_space<hbm>> -> memref<800x32xf32, #tpu.memory_space<hbm>>
          %dma_wait3A_227 = arith.constant 0 : i32
          %dma_wait3A_228 = arith.constant 0 : i32
          %dma_wait3A_229 = tpu.memref_slice %arg3[%dma_wait3A_227, %dma_wait3A_228] : memref<2600000x32xf32, #tpu.memory_space<hbm>> -> memref<800x32xf32, #tpu.memory_space<hbm>>
          %dma_wait3A_230 = arith.constant 0 : i32
          %dma_wait3A_231 = arith.constant 0 : i32
          %dma_wait3A_232 = tpu.memref_slice %arg5[%dma_wait3A_219, %dma_wait3A_230, %dma_wait3A_231] : memref<2x800x33xf32, #tpu.memory_space<vmem>> -> memref<1x800x32xf32, #tpu.memory_space<vmem>>
          %dma_wait3A_233 = tpu.memref_squeeze %dma_wait3A_232 : memref<1x800x32xf32, #tpu.memory_space<vmem>> -> memref<800x32xf32, #tpu.memory_space<vmem>>
          tpu.wait_dma2 semaphore(%arg9 : memref<!tpu.dma_semaphore, #tpu.memory_space<semaphore_mem>>) src(%dma_wait3A_233 : memref<800x32xf32, #tpu.memory_space<vmem>>) dst(%dma_wait3A_229 : memref<800x32xf32, #tpu.memory_space<hbm>>)
        } else {
        }
        %scan3A_165 = arith.constant 0 : i32
        %scan3A_166 = arith.constant 0 : i32
        %scan3A_167 = arith.constant 50 : i32
        %scan3A_168 = arith.addi %scan3A_166, %scan3A_167 : i32
        %scan3A_169 = arith.constant 1 : i32
        scf.for %scan3A_219 = %scan3A_166 to %scan3A_168 step %scan3A_169  : i32 {
          %mul3A_220 = arith.constant 16 : i32
          %mul3A_221 = arith.muli %scan3A_219, %mul3A_220 : i32
          %add3A_222 = vector.broadcast %mul3A_221 : i32 to vector<16xi32>
          %add3A_223 = arith.addi %iota3A, %add3A_222 : vector<16xi32>
          %mul3A_224 = arith.constant 16 : i32
          %mul3A_225 = arith.muli %scan3A_219, %mul3A_224 : i32
          %get3A = arith.constant 1 : i32
          %get3A_226 = arith.constant 0 : i32
          %get3A_227 = arith.index_cast %get3A : i32 to index
          %get3A_228 = arith.index_cast %get3A_226 : i32 to index
          %get3A_229 = arith.index_cast %mul3A_225 : i32 to index
          %get3A_230 = tpu.vector_load %arg4[%get3A_227, %get3A_228, %get3A_229] {strides = array<i32>} : memref<2x32x800xf32, #tpu.memory_space<vmem>>, vector<16xf32>,
          %mul3A_231 = arith.constant 16 : i32
          %mul3A_232 = arith.muli %scan3A_219, %mul3A_231 : i32
          %get3A_233 = arith.constant 1 : i32
          %get3A_234 = arith.constant 1 : i32
          %get3A_235 = arith.index_cast %get3A_233 : i32 to index
          %get3A_236 = arith.index_cast %get3A_234 : i32 to index
          %get3A_237 = arith.index_cast %mul3A_232 : i32 to index
          %get3A_238 = tpu.vector_load %arg4[%get3A_235, %get3A_236, %get3A_237] {strides = array<i32>} : memref<2x32x800xf32, #tpu.memory_space<vmem>>, vector<16xf32>,
          %mul3A_239 = arith.constant 16 : i32
          %mul3A_240 = arith.muli %scan3A_219, %mul3A_239 : i32
          %get3A_241 = arith.constant 1 : i32
          %get3A_242 = arith.constant 2 : i32
          %get3A_243 = arith.index_cast %get3A_241 : i32 to index
          %get3A_244 = arith.index_cast %get3A_242 : i32 to index
          %get3A_245 = arith.index_cast %mul3A_240 : i32 to index
          %get3A_246 = tpu.vector_load %arg4[%get3A_243, %get3A_244, %get3A_245] {strides = array<i32>} : memref<2x32x800xf32, #tpu.memory_space<vmem>>, vector<16xf32>,
          %mul3A_247 = arith.constant 16 : i32
          %mul3A_248 = arith.muli %scan3A_219, %mul3A_247 : i32
          %get3A_249 = arith.constant 1 : i32
          %get3A_250 = arith.constant 3 : i32
          %get3A_251 = arith.index_cast %get3A_249 : i32 to index
          %get3A_252 = arith.index_cast %get3A_250 : i32 to index
          %get3A_253 = arith.index_cast %mul3A_248 : i32 to index
          %get3A_254 = tpu.vector_load %arg4[%get3A_251, %get3A_252, %get3A_253] {strides = array<i32>} : memref<2x32x800xf32, #tpu.memory_space<vmem>>, vector<16xf32>,
          %mul3A_255 = arith.constant 16 : i32
          %mul3A_256 = arith.muli %scan3A_219, %mul3A_255 : i32
          %get3A_257 = arith.constant 1 : i32
          %get3A_258 = arith.constant 4 : i32
          %get3A_259 = arith.index_cast %get3A_257 : i32 to index
          %get3A_260 = arith.index_cast %get3A_258 : i32 to index
          %get3A_261 = arith.index_cast %mul3A_256 : i32 to index
          %get3A_262 = tpu.vector_load %arg4[%get3A_259, %get3A_260, %get3A_261] {strides = array<i32>} : memref<2x32x800xf32, #tpu.memory_space<vmem>>, vector<16xf32>,
          %mul3A_263 = arith.constant 16 : i32
          %mul3A_264 = arith.muli %scan3A_219, %mul3A_263 : i32
          %get3A_265 = arith.constant 1 : i32
          %get3A_266 = arith.constant 5 : i32
          %get3A_267 = arith.index_cast %get3A_265 : i32 to index
          %get3A_268 = arith.index_cast %get3A_266 : i32 to index
          %get3A_269 = arith.index_cast %mul3A_264 : i32 to index
          %get3A_270 = tpu.vector_load %arg4[%get3A_267, %get3A_268, %get3A_269] {strides = array<i32>} : memref<2x32x800xf32, #tpu.memory_space<vmem>>, vector<16xf32>,
          %mul3A_271 = arith.constant 16 : i32
          %mul3A_272 = arith.muli %scan3A_219, %mul3A_271 : i32
          %get3A_273 = arith.constant 1 : i32
          %get3A_274 = arith.constant 6 : i32
          %get3A_275 = arith.index_cast %get3A_273 : i32 to index
          %get3A_276 = arith.index_cast %get3A_274 : i32 to index
          %get3A_277 = arith.index_cast %mul3A_272 : i32 to index
          %get3A_278 = tpu.vector_load %arg4[%get3A_275, %get3A_276, %get3A_277] {strides = array<i32>} : memref<2x32x800xf32, #tpu.memory_space<vmem>>, vector<16xf32>,
          %mul3A_279 = arith.constant 16 : i32
          %mul3A_280 = arith.muli %scan3A_219, %mul3A_279 : i32
          %get3A_281 = arith.constant 1 : i32
          %get3A_282 = arith.constant 7 : i32
          %get3A_283 = arith.index_cast %get3A_281 : i32 to index
          %get3A_284 = arith.index_cast %get3A_282 : i32 to index
          %get3A_285 = arith.index_cast %mul3A_280 : i32 to index
          %get3A_286 = tpu.vector_load %arg4[%get3A_283, %get3A_284, %get3A_285] {strides = array<i32>} : memref<2x32x800xf32, #tpu.memory_space<vmem>>, vector<16xf32>,
          %mul3A_287 = arith.constant 16 : i32
          %mul3A_288 = arith.muli %scan3A_219, %mul3A_287 : i32
          %get3A_289 = arith.constant 1 : i32
          %get3A_290 = arith.constant 8 : i32
          %get3A_291 = arith.index_cast %get3A_289 : i32 to index
          %get3A_292 = arith.index_cast %get3A_290 : i32 to index
          %get3A_293 = arith.index_cast %mul3A_288 : i32 to index
          %get3A_294 = tpu.vector_load %arg4[%get3A_291, %get3A_292, %get3A_293] {strides = array<i32>} : memref<2x32x800xf32, #tpu.memory_space<vmem>>, vector<16xf32>,
          %mul3A_295 = arith.constant 16 : i32
          %mul3A_296 = arith.muli %scan3A_219, %mul3A_295 : i32
          %get3A_297 = arith.constant 1 : i32
          %get3A_298 = arith.constant 9 : i32
          %get3A_299 = arith.index_cast %get3A_297 : i32 to index
          %get3A_300 = arith.index_cast %get3A_298 : i32 to index
          %get3A_301 = arith.index_cast %mul3A_296 : i32 to index
          %get3A_302 = tpu.vector_load %arg4[%get3A_299, %get3A_300, %get3A_301] {strides = array<i32>} : memref<2x32x800xf32, #tpu.memory_space<vmem>>, vector<16xf32>,
          %mul3A_303 = arith.constant 16 : i32
          %mul3A_304 = arith.muli %scan3A_219, %mul3A_303 : i32
          %get3A_305 = arith.constant 1 : i32
          %get3A_306 = arith.constant 10 : i32
          %get3A_307 = arith.index_cast %get3A_305 : i32 to index
          %get3A_308 = arith.index_cast %get3A_306 : i32 to index
          %get3A_309 = arith.index_cast %mul3A_304 : i32 to index
          %get3A_310 = tpu.vector_load %arg4[%get3A_307, %get3A_308, %get3A_309] {strides = array<i32>} : memref<2x32x800xf32, #tpu.memory_space<vmem>>, vector<16xf32>,
          %mul3A_311 = arith.constant 16 : i32
          %mul3A_312 = arith.muli %scan3A_219, %mul3A_311 : i32
          %get3A_313 = arith.constant 1 : i32
          %get3A_314 = arith.constant 11 : i32
          %get3A_315 = arith.index_cast %get3A_313 : i32 to index
          %get3A_316 = arith.index_cast %get3A_314 : i32 to index
          %get3A_317 = arith.index_cast %mul3A_312 : i32 to index
          %get3A_318 = tpu.vector_load %arg4[%get3A_315, %get3A_316, %get3A_317] {strides = array<i32>} : memref<2x32x800xf32, #tpu.memory_space<vmem>>, vector<16xf32>,
          %mul3A_319 = arith.constant 16 : i32
          %mul3A_320 = arith.muli %scan3A_219, %mul3A_319 : i32
          %get3A_321 = arith.constant 1 : i32
          %get3A_322 = arith.constant 12 : i32
          %get3A_323 = arith.index_cast %get3A_321 : i32 to index
          %get3A_324 = arith.index_cast %get3A_322 : i32 to index
          %get3A_325 = arith.index_cast %mul3A_320 : i32 to index
          %get3A_326 = tpu.vector_load %arg4[%get3A_323, %get3A_324, %get3A_325] {strides = array<i32>} : memref<2x32x800xf32, #tpu.memory_space<vmem>>, vector<16xf32>,
          %mul3A_327 = arith.constant 16 : i32
          %mul3A_328 = arith.muli %scan3A_219, %mul3A_327 : i32
          %get3A_329 = arith.constant 1 : i32
          %get3A_330 = arith.constant 13 : i32
          %get3A_331 = arith.index_cast %get3A_329 : i32 to index
          %get3A_332 = arith.index_cast %get3A_330 : i32 to index
          %get3A_333 = arith.index_cast %mul3A_328 : i32 to index
          %get3A_334 = tpu.vector_load %arg4[%get3A_331, %get3A_332, %get3A_333] {strides = array<i32>} : memref<2x32x800xf32, #tpu.memory_space<vmem>>, vector<16xf32>,
          %mul3A_335 = arith.constant 16 : i32
          %mul3A_336 = arith.muli %scan3A_219, %mul3A_335 : i32
          %get3A_337 = arith.constant 1 : i32
          %get3A_338 = arith.constant 14 : i32
          %get3A_339 = arith.index_cast %get3A_337 : i32 to index
          %get3A_340 = arith.index_cast %get3A_338 : i32 to index
          %get3A_341 = arith.index_cast %mul3A_336 : i32 to index
          %get3A_342 = tpu.vector_load %arg4[%get3A_339, %get3A_340, %get3A_341] {strides = array<i32>} : memref<2x32x800xf32, #tpu.memory_space<vmem>>, vector<16xf32>,
          %mul3A_343 = arith.constant 16 : i32
          %mul3A_344 = arith.muli %scan3A_219, %mul3A_343 : i32
          %get3A_345 = arith.constant 1 : i32
          %get3A_346 = arith.constant 15 : i32
          %get3A_347 = arith.index_cast %get3A_345 : i32 to index
          %get3A_348 = arith.index_cast %get3A_346 : i32 to index
          %get3A_349 = arith.index_cast %mul3A_344 : i32 to index
          %get3A_350 = tpu.vector_load %arg4[%get3A_347, %get3A_348, %get3A_349] {strides = array<i32>} : memref<2x32x800xf32, #tpu.memory_space<vmem>>, vector<16xf32>,
          %scatter3A = arith.constant 1 : i32
          %scatter3A_351 = arith.constant 0 : i32
          %scatter3A_352 = arith.constant 0 : i32
          %scatter3A_353 = tpu.memref_slice %arg5[%scatter3A, %scatter3A_351, %scatter3A_352] : memref<2x800x33xf32, #tpu.memory_space<vmem>> -> memref<1x800x33xf32, #tpu.memory_space<vmem>>
          %scatter3A_354 = tpu.memref_squeeze %scatter3A_353 : memref<1x800x33xf32, #tpu.memory_space<vmem>> -> memref<800x33xf32, #tpu.memory_space<vmem>>
          tpu.vector_store_idx %scatter3A_354[%add3A_223, %broadcast_in_dim3A_3], %get3A_230 : memref<800x33xf32, #tpu.memory_space<vmem>>[vector<16xi32>, vector<16xi32>], vector<16xf32>,
          %scatter3A_355 = arith.constant 1 : i32
          %scatter3A_356 = arith.constant 0 : i32
          %scatter3A_357 = arith.constant 0 : i32
          %scatter3A_358 = tpu.memref_slice %arg5[%scatter3A_355, %scatter3A_356, %scatter3A_357] : memref<2x800x33xf32, #tpu.memory_space<vmem>> -> memref<1x800x33xf32, #tpu.memory_space<vmem>>
          %scatter3A_359 = tpu.memref_squeeze %scatter3A_358 : memref<1x800x33xf32, #tpu.memory_space<vmem>> -> memref<800x33xf32, #tpu.memory_space<vmem>>
          tpu.vector_store_idx %scatter3A_359[%add3A_223, %broadcast_in_dim3A_5], %get3A_238 : memref<800x33xf32, #tpu.memory_space<vmem>>[vector<16xi32>, vector<16xi32>], vector<16xf32>,
          %scatter3A_360 = arith.constant 1 : i32
          %scatter3A_361 = arith.constant 0 : i32
          %scatter3A_362 = arith.constant 0 : i32
          %scatter3A_363 = tpu.memref_slice %arg5[%scatter3A_360, %scatter3A_361, %scatter3A_362] : memref<2x800x33xf32, #tpu.memory_space<vmem>> -> memref<1x800x33xf32, #tpu.memory_space<vmem>>
          %scatter3A_364 = tpu.memref_squeeze %scatter3A_363 : memref<1x800x33xf32, #tpu.memory_space<vmem>> -> memref<800x33xf32, #tpu.memory_space<vmem>>
          tpu.vector_store_idx %scatter3A_364[%add3A_223, %broadcast_in_dim3A_7], %get3A_246 : memref<800x33xf32, #tpu.memory_space<vmem>>[vector<16xi32>, vector<16xi32>], vector<16xf32>,
          %scatter3A_365 = arith.constant 1 : i32
          %scatter3A_366 = arith.constant 0 : i32
          %scatter3A_367 = arith.constant 0 : i32
          %scatter3A_368 = tpu.memref_slice %arg5[%scatter3A_365, %scatter3A_366, %scatter3A_367] : memref<2x800x33xf32, #tpu.memory_space<vmem>> -> memref<1x800x33xf32, #tpu.memory_space<vmem>>
          %scatter3A_369 = tpu.memref_squeeze %scatter3A_368 : memref<1x800x33xf32, #tpu.memory_space<vmem>> -> memref<800x33xf32, #tpu.memory_space<vmem>>
          tpu.vector_store_idx %scatter3A_369[%add3A_223, %broadcast_in_dim3A_9], %get3A_254 : memref<800x33xf32, #tpu.memory_space<vmem>>[vector<16xi32>, vector<16xi32>], vector<16xf32>,
          %scatter3A_370 = arith.constant 1 : i32
          %scatter3A_371 = arith.constant 0 : i32
          %scatter3A_372 = arith.constant 0 : i32
          %scatter3A_373 = tpu.memref_slice %arg5[%scatter3A_370, %scatter3A_371, %scatter3A_372] : memref<2x800x33xf32, #tpu.memory_space<vmem>> -> memref<1x800x33xf32, #tpu.memory_space<vmem>>
          %scatter3A_374 = tpu.memref_squeeze %scatter3A_373 : memref<1x800x33xf32, #tpu.memory_space<vmem>> -> memref<800x33xf32, #tpu.memory_space<vmem>>
          tpu.vector_store_idx %scatter3A_374[%add3A_223, %broadcast_in_dim3A_11], %get3A_262 : memref<800x33xf32, #tpu.memory_space<vmem>>[vector<16xi32>, vector<16xi32>], vector<16xf32>,
          %scatter3A_375 = arith.constant 1 : i32
          %scatter3A_376 = arith.constant 0 : i32
          %scatter3A_377 = arith.constant 0 : i32
          %scatter3A_378 = tpu.memref_slice %arg5[%scatter3A_375, %scatter3A_376, %scatter3A_377] : memref<2x800x33xf32, #tpu.memory_space<vmem>> -> memref<1x800x33xf32, #tpu.memory_space<vmem>>
          %scatter3A_379 = tpu.memref_squeeze %scatter3A_378 : memref<1x800x33xf32, #tpu.memory_space<vmem>> -> memref<800x33xf32, #tpu.memory_space<vmem>>
          tpu.vector_store_idx %scatter3A_379[%add3A_223, %broadcast_in_dim3A_13], %get3A_270 : memref<800x33xf32, #tpu.memory_space<vmem>>[vector<16xi32>, vector<16xi32>], vector<16xf32>,
          %scatter3A_380 = arith.constant 1 : i32
          %scatter3A_381 = arith.constant 0 : i32
          %scatter3A_382 = arith.constant 0 : i32
          %scatter3A_383 = tpu.memref_slice %arg5[%scatter3A_380, %scatter3A_381, %scatter3A_382] : memref<2x800x33xf32, #tpu.memory_space<vmem>> -> memref<1x800x33xf32, #tpu.memory_space<vmem>>
          %scatter3A_384 = tpu.memref_squeeze %scatter3A_383 : memref<1x800x33xf32, #tpu.memory_space<vmem>> -> memref<800x33xf32, #tpu.memory_space<vmem>>
          tpu.vector_store_idx %scatter3A_384[%add3A_223, %broadcast_in_dim3A_15], %get3A_278 : memref<800x33xf32, #tpu.memory_space<vmem>>[vector<16xi32>, vector<16xi32>], vector<16xf32>,
          %scatter3A_385 = arith.constant 1 : i32
          %scatter3A_386 = arith.constant 0 : i32
          %scatter3A_387 = arith.constant 0 : i32
          %scatter3A_388 = tpu.memref_slice %arg5[%scatter3A_385, %scatter3A_386, %scatter3A_387] : memref<2x800x33xf32, #tpu.memory_space<vmem>> -> memref<1x800x33xf32, #tpu.memory_space<vmem>>
          %scatter3A_389 = tpu.memref_squeeze %scatter3A_388 : memref<1x800x33xf32, #tpu.memory_space<vmem>> -> memref<800x33xf32, #tpu.memory_space<vmem>>
          tpu.vector_store_idx %scatter3A_389[%add3A_223, %broadcast_in_dim3A_17], %get3A_286 : memref<800x33xf32, #tpu.memory_space<vmem>>[vector<16xi32>, vector<16xi32>], vector<16xf32>,
          %scatter3A_390 = arith.constant 1 : i32
          %scatter3A_391 = arith.constant 0 : i32
          %scatter3A_392 = arith.constant 0 : i32
          %scatter3A_393 = tpu.memref_slice %arg5[%scatter3A_390, %scatter3A_391, %scatter3A_392] : memref<2x800x33xf32, #tpu.memory_space<vmem>> -> memref<1x800x33xf32, #tpu.memory_space<vmem>>
          %scatter3A_394 = tpu.memref_squeeze %scatter3A_393 : memref<1x800x33xf32, #tpu.memory_space<vmem>> -> memref<800x33xf32, #tpu.memory_space<vmem>>
          tpu.vector_store_idx %scatter3A_394[%add3A_223, %broadcast_in_dim3A_19], %get3A_294 : memref<800x33xf32, #tpu.memory_space<vmem>>[vector<16xi32>, vector<16xi32>], vector<16xf32>,
          %scatter3A_395 = arith.constant 1 : i32
          %scatter3A_396 = arith.constant 0 : i32
          %scatter3A_397 = arith.constant 0 : i32
          %scatter3A_398 = tpu.memref_slice %arg5[%scatter3A_395, %scatter3A_396, %scatter3A_397] : memref<2x800x33xf32, #tpu.memory_space<vmem>> -> memref<1x800x33xf32, #tpu.memory_space<vmem>>
          %scatter3A_399 = tpu.memref_squeeze %scatter3A_398 : memref<1x800x33xf32, #tpu.memory_space<vmem>> -> memref<800x33xf32, #tpu.memory_space<vmem>>
          tpu.vector_store_idx %scatter3A_399[%add3A_223, %broadcast_in_dim3A_21], %get3A_302 : memref<800x33xf32, #tpu.memory_space<vmem>>[vector<16xi32>, vector<16xi32>], vector<16xf32>,
          %scatter3A_400 = arith.constant 1 : i32
          %scatter3A_401 = arith.constant 0 : i32
          %scatter3A_402 = arith.constant 0 : i32
          %scatter3A_403 = tpu.memref_slice %arg5[%scatter3A_400, %scatter3A_401, %scatter3A_402] : memref<2x800x33xf32, #tpu.memory_space<vmem>> -> memref<1x800x33xf32, #tpu.memory_space<vmem>>
          %scatter3A_404 = tpu.memref_squeeze %scatter3A_403 : memref<1x800x33xf32, #tpu.memory_space<vmem>> -> memref<800x33xf32, #tpu.memory_space<vmem>>
          tpu.vector_store_idx %scatter3A_404[%add3A_223, %broadcast_in_dim3A_23], %get3A_310 : memref<800x33xf32, #tpu.memory_space<vmem>>[vector<16xi32>, vector<16xi32>], vector<16xf32>,
          %scatter3A_405 = arith.constant 1 : i32
          %scatter3A_406 = arith.constant 0 : i32
          %scatter3A_407 = arith.constant 0 : i32
          %scatter3A_408 = tpu.memref_slice %arg5[%scatter3A_405, %scatter3A_406, %scatter3A_407] : memref<2x800x33xf32, #tpu.memory_space<vmem>> -> memref<1x800x33xf32, #tpu.memory_space<vmem>>
          %scatter3A_409 = tpu.memref_squeeze %scatter3A_408 : memref<1x800x33xf32, #tpu.memory_space<vmem>> -> memref<800x33xf32, #tpu.memory_space<vmem>>
          tpu.vector_store_idx %scatter3A_409[%add3A_223, %broadcast_in_dim3A_25], %get3A_318 : memref<800x33xf32, #tpu.memory_space<vmem>>[vector<16xi32>, vector<16xi32>], vector<16xf32>,
          %scatter3A_410 = arith.constant 1 : i32
          %scatter3A_411 = arith.constant 0 : i32
          %scatter3A_412 = arith.constant 0 : i32
          %scatter3A_413 = tpu.memref_slice %arg5[%scatter3A_410, %scatter3A_411, %scatter3A_412] : memref<2x800x33xf32, #tpu.memory_space<vmem>> -> memref<1x800x33xf32, #tpu.memory_space<vmem>>
          %scatter3A_414 = tpu.memref_squeeze %scatter3A_413 : memref<1x800x33xf32, #tpu.memory_space<vmem>> -> memref<800x33xf32, #tpu.memory_space<vmem>>
          tpu.vector_store_idx %scatter3A_414[%add3A_223, %broadcast_in_dim3A_27], %get3A_326 : memref<800x33xf32, #tpu.memory_space<vmem>>[vector<16xi32>, vector<16xi32>], vector<16xf32>,
          %scatter3A_415 = arith.constant 1 : i32
          %scatter3A_416 = arith.constant 0 : i32
          %scatter3A_417 = arith.constant 0 : i32
          %scatter3A_418 = tpu.memref_slice %arg5[%scatter3A_415, %scatter3A_416, %scatter3A_417] : memref<2x800x33xf32, #tpu.memory_space<vmem>> -> memref<1x800x33xf32, #tpu.memory_space<vmem>>
          %scatter3A_419 = tpu.memref_squeeze %scatter3A_418 : memref<1x800x33xf32, #tpu.memory_space<vmem>> -> memref<800x33xf32, #tpu.memory_space<vmem>>
          tpu.vector_store_idx %scatter3A_419[%add3A_223, %broadcast_in_dim3A_29], %get3A_334 : memref<800x33xf32, #tpu.memory_space<vmem>>[vector<16xi32>, vector<16xi32>], vector<16xf32>,
          %scatter3A_420 = arith.constant 1 : i32
          %scatter3A_421 = arith.constant 0 : i32
          %scatter3A_422 = arith.constant 0 : i32
          %scatter3A_423 = tpu.memref_slice %arg5[%scatter3A_420, %scatter3A_421, %scatter3A_422] : memref<2x800x33xf32, #tpu.memory_space<vmem>> -> memref<1x800x33xf32, #tpu.memory_space<vmem>>
          %scatter3A_424 = tpu.memref_squeeze %scatter3A_423 : memref<1x800x33xf32, #tpu.memory_space<vmem>> -> memref<800x33xf32, #tpu.memory_space<vmem>>
          tpu.vector_store_idx %scatter3A_424[%add3A_223, %broadcast_in_dim3A_31], %get3A_342 : memref<800x33xf32, #tpu.memory_space<vmem>>[vector<16xi32>, vector<16xi32>], vector<16xf32>,
          %scatter3A_425 = arith.constant 1 : i32
          %scatter3A_426 = arith.constant 0 : i32
          %scatter3A_427 = arith.constant 0 : i32
          %scatter3A_428 = tpu.memref_slice %arg5[%scatter3A_425, %scatter3A_426, %scatter3A_427] : memref<2x800x33xf32, #tpu.memory_space<vmem>> -> memref<1x800x33xf32, #tpu.memory_space<vmem>>
          %scatter3A_429 = tpu.memref_squeeze %scatter3A_428 : memref<1x800x33xf32, #tpu.memory_space<vmem>> -> memref<800x33xf32, #tpu.memory_space<vmem>>
          tpu.vector_store_idx %scatter3A_429[%add3A_223, %broadcast_in_dim3A_33], %get3A_350 : memref<800x33xf32, #tpu.memory_space<vmem>>[vector<16xi32>, vector<16xi32>], vector<16xf32>,
          %mul3A_430 = arith.constant 16 : i32
          %mul3A_431 = arith.muli %scan3A_219, %mul3A_430 : i32
          %get3A_432 = arith.constant 1 : i32
          %get3A_433 = arith.constant 16 : i32
          %get3A_434 = arith.index_cast %get3A_432 : i32 to index
          %get3A_435 = arith.index_cast %get3A_433 : i32 to index
          %get3A_436 = arith.index_cast %mul3A_431 : i32 to index
          %get3A_437 = tpu.vector_load %arg4[%get3A_434, %get3A_435, %get3A_436] {strides = array<i32>} : memref<2x32x800xf32, #tpu.memory_space<vmem>>, vector<16xf32>,
          %mul3A_438 = arith.constant 16 : i32
          %mul3A_439 = arith.muli %scan3A_219, %mul3A_438 : i32
          %get3A_440 = arith.constant 1 : i32
          %get3A_441 = arith.constant 17 : i32
          %get3A_442 = arith.index_cast %get3A_440 : i32 to index
          %get3A_443 = arith.index_cast %get3A_441 : i32 to index
          %get3A_444 = arith.index_cast %mul3A_439 : i32 to index
          %get3A_445 = tpu.vector_load %arg4[%get3A_442, %get3A_443, %get3A_444] {strides = array<i32>} : memref<2x32x800xf32, #tpu.memory_space<vmem>>, vector<16xf32>,
          %mul3A_446 = arith.constant 16 : i32
          %mul3A_447 = arith.muli %scan3A_219, %mul3A_446 : i32
          %get3A_448 = arith.constant 1 : i32
          %get3A_449 = arith.constant 18 : i32
          %get3A_450 = arith.index_cast %get3A_448 : i32 to index
          %get3A_451 = arith.index_cast %get3A_449 : i32 to index
          %get3A_452 = arith.index_cast %mul3A_447 : i32 to index
          %get3A_453 = tpu.vector_load %arg4[%get3A_450, %get3A_451, %get3A_452] {strides = array<i32>} : memref<2x32x800xf32, #tpu.memory_space<vmem>>, vector<16xf32>,
          %mul3A_454 = arith.constant 16 : i32
          %mul3A_455 = arith.muli %scan3A_219, %mul3A_454 : i32
          %get3A_456 = arith.constant 1 : i32
          %get3A_457 = arith.constant 19 : i32
          %get3A_458 = arith.index_cast %get3A_456 : i32 to index
          %get3A_459 = arith.index_cast %get3A_457 : i32 to index
          %get3A_460 = arith.index_cast %mul3A_455 : i32 to index
          %get3A_461 = tpu.vector_load %arg4[%get3A_458, %get3A_459, %get3A_460] {strides = array<i32>} : memref<2x32x800xf32, #tpu.memory_space<vmem>>, vector<16xf32>,
          %mul3A_462 = arith.constant 16 : i32
          %mul3A_463 = arith.muli %scan3A_219, %mul3A_462 : i32
          %get3A_464 = arith.constant 1 : i32
          %get3A_465 = arith.constant 20 : i32
          %get3A_466 = arith.index_cast %get3A_464 : i32 to index
          %get3A_467 = arith.index_cast %get3A_465 : i32 to index
          %get3A_468 = arith.index_cast %mul3A_463 : i32 to index
          %get3A_469 = tpu.vector_load %arg4[%get3A_466, %get3A_467, %get3A_468] {strides = array<i32>} : memref<2x32x800xf32, #tpu.memory_space<vmem>>, vector<16xf32>,
          %mul3A_470 = arith.constant 16 : i32
          %mul3A_471 = arith.muli %scan3A_219, %mul3A_470 : i32
          %get3A_472 = arith.constant 1 : i32
          %get3A_473 = arith.constant 21 : i32
          %get3A_474 = arith.index_cast %get3A_472 : i32 to index
          %get3A_475 = arith.index_cast %get3A_473 : i32 to index
          %get3A_476 = arith.index_cast %mul3A_471 : i32 to index
          %get3A_477 = tpu.vector_load %arg4[%get3A_474, %get3A_475, %get3A_476] {strides = array<i32>} : memref<2x32x800xf32, #tpu.memory_space<vmem>>, vector<16xf32>,
          %mul3A_478 = arith.constant 16 : i32
          %mul3A_479 = arith.muli %scan3A_219, %mul3A_478 : i32
          %get3A_480 = arith.constant 1 : i32
          %get3A_481 = arith.constant 22 : i32
          %get3A_482 = arith.index_cast %get3A_480 : i32 to index
          %get3A_483 = arith.index_cast %get3A_481 : i32 to index
          %get3A_484 = arith.index_cast %mul3A_479 : i32 to index
          %get3A_485 = tpu.vector_load %arg4[%get3A_482, %get3A_483, %get3A_484] {strides = array<i32>} : memref<2x32x800xf32, #tpu.memory_space<vmem>>, vector<16xf32>,
          %mul3A_486 = arith.constant 16 : i32
          %mul3A_487 = arith.muli %scan3A_219, %mul3A_486 : i32
          %get3A_488 = arith.constant 1 : i32
          %get3A_489 = arith.constant 23 : i32
          %get3A_490 = arith.index_cast %get3A_488 : i32 to index
          %get3A_491 = arith.index_cast %get3A_489 : i32 to index
          %get3A_492 = arith.index_cast %mul3A_487 : i32 to index
          %get3A_493 = tpu.vector_load %arg4[%get3A_490, %get3A_491, %get3A_492] {strides = array<i32>} : memref<2x32x800xf32, #tpu.memory_space<vmem>>, vector<16xf32>,
          %mul3A_494 = arith.constant 16 : i32
          %mul3A_495 = arith.muli %scan3A_219, %mul3A_494 : i32
          %get3A_496 = arith.constant 1 : i32
          %get3A_497 = arith.constant 24 : i32
          %get3A_498 = arith.index_cast %get3A_496 : i32 to index
          %get3A_499 = arith.index_cast %get3A_497 : i32 to index
          %get3A_500 = arith.index_cast %mul3A_495 : i32 to index
          %get3A_501 = tpu.vector_load %arg4[%get3A_498, %get3A_499, %get3A_500] {strides = array<i32>} : memref<2x32x800xf32, #tpu.memory_space<vmem>>, vector<16xf32>,
          %mul3A_502 = arith.constant 16 : i32
          %mul3A_503 = arith.muli %scan3A_219, %mul3A_502 : i32
          %get3A_504 = arith.constant 1 : i32
          %get3A_505 = arith.constant 25 : i32
          %get3A_506 = arith.index_cast %get3A_504 : i32 to index
          %get3A_507 = arith.index_cast %get3A_505 : i32 to index
          %get3A_508 = arith.index_cast %mul3A_503 : i32 to index
          %get3A_509 = tpu.vector_load %arg4[%get3A_506, %get3A_507, %get3A_508] {strides = array<i32>} : memref<2x32x800xf32, #tpu.memory_space<vmem>>, vector<16xf32>,
          %mul3A_510 = arith.constant 16 : i32
          %mul3A_511 = arith.muli %scan3A_219, %mul3A_510 : i32
          %get3A_512 = arith.constant 1 : i32
          %get3A_513 = arith.constant 26 : i32
          %get3A_514 = arith.index_cast %get3A_512 : i32 to index
          %get3A_515 = arith.index_cast %get3A_513 : i32 to index
          %get3A_516 = arith.index_cast %mul3A_511 : i32 to index
          %get3A_517 = tpu.vector_load %arg4[%get3A_514, %get3A_515, %get3A_516] {strides = array<i32>} : memref<2x32x800xf32, #tpu.memory_space<vmem>>, vector<16xf32>,
          %mul3A_518 = arith.constant 16 : i32
          %mul3A_519 = arith.muli %scan3A_219, %mul3A_518 : i32
          %get3A_520 = arith.constant 1 : i32
          %get3A_521 = arith.constant 27 : i32
          %get3A_522 = arith.index_cast %get3A_520 : i32 to index
          %get3A_523 = arith.index_cast %get3A_521 : i32 to index
          %get3A_524 = arith.index_cast %mul3A_519 : i32 to index
          %get3A_525 = tpu.vector_load %arg4[%get3A_522, %get3A_523, %get3A_524] {strides = array<i32>} : memref<2x32x800xf32, #tpu.memory_space<vmem>>, vector<16xf32>,
          %mul3A_526 = arith.constant 16 : i32
          %mul3A_527 = arith.muli %scan3A_219, %mul3A_526 : i32
          %get3A_528 = arith.constant 1 : i32
          %get3A_529 = arith.constant 28 : i32
          %get3A_530 = arith.index_cast %get3A_528 : i32 to index
          %get3A_531 = arith.index_cast %get3A_529 : i32 to index
          %get3A_532 = arith.index_cast %mul3A_527 : i32 to index
          %get3A_533 = tpu.vector_load %arg4[%get3A_530, %get3A_531, %get3A_532] {strides = array<i32>} : memref<2x32x800xf32, #tpu.memory_space<vmem>>, vector<16xf32>,
          %mul3A_534 = arith.constant 16 : i32
          %mul3A_535 = arith.muli %scan3A_219, %mul3A_534 : i32
          %get3A_536 = arith.constant 1 : i32
          %get3A_537 = arith.constant 29 : i32
          %get3A_538 = arith.index_cast %get3A_536 : i32 to index
          %get3A_539 = arith.index_cast %get3A_537 : i32 to index
          %get3A_540 = arith.index_cast %mul3A_535 : i32 to index
          %get3A_541 = tpu.vector_load %arg4[%get3A_538, %get3A_539, %get3A_540] {strides = array<i32>} : memref<2x32x800xf32, #tpu.memory_space<vmem>>, vector<16xf32>,
          %mul3A_542 = arith.constant 16 : i32
          %mul3A_543 = arith.muli %scan3A_219, %mul3A_542 : i32
          %get3A_544 = arith.constant 1 : i32
          %get3A_545 = arith.constant 30 : i32
          %get3A_546 = arith.index_cast %get3A_544 : i32 to index
          %get3A_547 = arith.index_cast %get3A_545 : i32 to index
          %get3A_548 = arith.index_cast %mul3A_543 : i32 to index
          %get3A_549 = tpu.vector_load %arg4[%get3A_546, %get3A_547, %get3A_548] {strides = array<i32>} : memref<2x32x800xf32, #tpu.memory_space<vmem>>, vector<16xf32>,
          %mul3A_550 = arith.constant 16 : i32
          %mul3A_551 = arith.muli %scan3A_219, %mul3A_550 : i32
          %get3A_552 = arith.constant 1 : i32
          %get3A_553 = arith.constant 31 : i32
          %get3A_554 = arith.index_cast %get3A_552 : i32 to index
          %get3A_555 = arith.index_cast %get3A_553 : i32 to index
          %get3A_556 = arith.index_cast %mul3A_551 : i32 to index
          %get3A_557 = tpu.vector_load %arg4[%get3A_554, %get3A_555, %get3A_556] {strides = array<i32>} : memref<2x32x800xf32, #tpu.memory_space<vmem>>, vector<16xf32>,
          %scatter3A_558 = arith.constant 1 : i32
          %scatter3A_559 = arith.constant 0 : i32
          %scatter3A_560 = arith.constant 0 : i32
          %scatter3A_561 = tpu.memref_slice %arg5[%scatter3A_558, %scatter3A_559, %scatter3A_560] : memref<2x800x33xf32, #tpu.memory_space<vmem>> -> memref<1x800x33xf32, #tpu.memory_space<vmem>>
          %scatter3A_562 = tpu.memref_squeeze %scatter3A_561 : memref<1x800x33xf32, #tpu.memory_space<vmem>> -> memref<800x33xf32, #tpu.memory_space<vmem>>
          tpu.vector_store_idx %scatter3A_562[%add3A_223, %broadcast_in_dim3A_35], %get3A_437 : memref<800x33xf32, #tpu.memory_space<vmem>>[vector<16xi32>, vector<16xi32>], vector<16xf32>,
          %scatter3A_563 = arith.constant 1 : i32
          %scatter3A_564 = arith.constant 0 : i32
          %scatter3A_565 = arith.constant 0 : i32
          %scatter3A_566 = tpu.memref_slice %arg5[%scatter3A_563, %scatter3A_564, %scatter3A_565] : memref<2x800x33xf32, #tpu.memory_space<vmem>> -> memref<1x800x33xf32, #tpu.memory_space<vmem>>
          %scatter3A_567 = tpu.memref_squeeze %scatter3A_566 : memref<1x800x33xf32, #tpu.memory_space<vmem>> -> memref<800x33xf32, #tpu.memory_space<vmem>>
          tpu.vector_store_idx %scatter3A_567[%add3A_223, %broadcast_in_dim3A_37], %get3A_445 : memref<800x33xf32, #tpu.memory_space<vmem>>[vector<16xi32>, vector<16xi32>], vector<16xf32>,
          %scatter3A_568 = arith.constant 1 : i32
          %scatter3A_569 = arith.constant 0 : i32
          %scatter3A_570 = arith.constant 0 : i32
          %scatter3A_571 = tpu.memref_slice %arg5[%scatter3A_568, %scatter3A_569, %scatter3A_570] : memref<2x800x33xf32, #tpu.memory_space<vmem>> -> memref<1x800x33xf32, #tpu.memory_space<vmem>>
          %scatter3A_572 = tpu.memref_squeeze %scatter3A_571 : memref<1x800x33xf32, #tpu.memory_space<vmem>> -> memref<800x33xf32, #tpu.memory_space<vmem>>
          tpu.vector_store_idx %scatter3A_572[%add3A_223, %broadcast_in_dim3A_39], %get3A_453 : memref<800x33xf32, #tpu.memory_space<vmem>>[vector<16xi32>, vector<16xi32>], vector<16xf32>,
          %scatter3A_573 = arith.constant 1 : i32
          %scatter3A_574 = arith.constant 0 : i32
          %scatter3A_575 = arith.constant 0 : i32
          %scatter3A_576 = tpu.memref_slice %arg5[%scatter3A_573, %scatter3A_574, %scatter3A_575] : memref<2x800x33xf32, #tpu.memory_space<vmem>> -> memref<1x800x33xf32, #tpu.memory_space<vmem>>
          %scatter3A_577 = tpu.memref_squeeze %scatter3A_576 : memref<1x800x33xf32, #tpu.memory_space<vmem>> -> memref<800x33xf32, #tpu.memory_space<vmem>>
          tpu.vector_store_idx %scatter3A_577[%add3A_223, %broadcast_in_dim3A_41], %get3A_461 : memref<800x33xf32, #tpu.memory_space<vmem>>[vector<16xi32>, vector<16xi32>], vector<16xf32>,
          %scatter3A_578 = arith.constant 1 : i32
          %scatter3A_579 = arith.constant 0 : i32
          %scatter3A_580 = arith.constant 0 : i32
          %scatter3A_581 = tpu.memref_slice %arg5[%scatter3A_578, %scatter3A_579, %scatter3A_580] : memref<2x800x33xf32, #tpu.memory_space<vmem>> -> memref<1x800x33xf32, #tpu.memory_space<vmem>>
          %scatter3A_582 = tpu.memref_squeeze %scatter3A_581 : memref<1x800x33xf32, #tpu.memory_space<vmem>> -> memref<800x33xf32, #tpu.memory_space<vmem>>
          tpu.vector_store_idx %scatter3A_582[%add3A_223, %broadcast_in_dim3A_43], %get3A_469 : memref<800x33xf32, #tpu.memory_space<vmem>>[vector<16xi32>, vector<16xi32>], vector<16xf32>,
          %scatter3A_583 = arith.constant 1 : i32
          %scatter3A_584 = arith.constant 0 : i32
          %scatter3A_585 = arith.constant 0 : i32
          %scatter3A_586 = tpu.memref_slice %arg5[%scatter3A_583, %scatter3A_584, %scatter3A_585] : memref<2x800x33xf32, #tpu.memory_space<vmem>> -> memref<1x800x33xf32, #tpu.memory_space<vmem>>
          %scatter3A_587 = tpu.memref_squeeze %scatter3A_586 : memref<1x800x33xf32, #tpu.memory_space<vmem>> -> memref<800x33xf32, #tpu.memory_space<vmem>>
          tpu.vector_store_idx %scatter3A_587[%add3A_223, %broadcast_in_dim3A_45], %get3A_477 : memref<800x33xf32, #tpu.memory_space<vmem>>[vector<16xi32>, vector<16xi32>], vector<16xf32>,
          %scatter3A_588 = arith.constant 1 : i32
          %scatter3A_589 = arith.constant 0 : i32
          %scatter3A_590 = arith.constant 0 : i32
          %scatter3A_591 = tpu.memref_slice %arg5[%scatter3A_588, %scatter3A_589, %scatter3A_590] : memref<2x800x33xf32, #tpu.memory_space<vmem>> -> memref<1x800x33xf32, #tpu.memory_space<vmem>>
          %scatter3A_592 = tpu.memref_squeeze %scatter3A_591 : memref<1x800x33xf32, #tpu.memory_space<vmem>> -> memref<800x33xf32, #tpu.memory_space<vmem>>
          tpu.vector_store_idx %scatter3A_592[%add3A_223, %broadcast_in_dim3A_47], %get3A_485 : memref<800x33xf32, #tpu.memory_space<vmem>>[vector<16xi32>, vector<16xi32>], vector<16xf32>,
          %scatter3A_593 = arith.constant 1 : i32
          %scatter3A_594 = arith.constant 0 : i32
          %scatter3A_595 = arith.constant 0 : i32
          %scatter3A_596 = tpu.memref_slice %arg5[%scatter3A_593, %scatter3A_594, %scatter3A_595] : memref<2x800x33xf32, #tpu.memory_space<vmem>> -> memref<1x800x33xf32, #tpu.memory_space<vmem>>
          %scatter3A_597 = tpu.memref_squeeze %scatter3A_596 : memref<1x800x33xf32, #tpu.memory_space<vmem>> -> memref<800x33xf32, #tpu.memory_space<vmem>>
          tpu.vector_store_idx %scatter3A_597[%add3A_223, %broadcast_in_dim3A_49], %get3A_493 : memref<800x33xf32, #tpu.memory_space<vmem>>[vector<16xi32>, vector<16xi32>], vector<16xf32>,
          %scatter3A_598 = arith.constant 1 : i32
          %scatter3A_599 = arith.constant 0 : i32
          %scatter3A_600 = arith.constant 0 : i32
          %scatter3A_601 = tpu.memref_slice %arg5[%scatter3A_598, %scatter3A_599, %scatter3A_600] : memref<2x800x33xf32, #tpu.memory_space<vmem>> -> memref<1x800x33xf32, #tpu.memory_space<vmem>>
          %scatter3A_602 = tpu.memref_squeeze %scatter3A_601 : memref<1x800x33xf32, #tpu.memory_space<vmem>> -> memref<800x33xf32, #tpu.memory_space<vmem>>
          tpu.vector_store_idx %scatter3A_602[%add3A_223, %broadcast_in_dim3A_51], %get3A_501 : memref<800x33xf32, #tpu.memory_space<vmem>>[vector<16xi32>, vector<16xi32>], vector<16xf32>,
          %scatter3A_603 = arith.constant 1 : i32
          %scatter3A_604 = arith.constant 0 : i32
          %scatter3A_605 = arith.constant 0 : i32
          %scatter3A_606 = tpu.memref_slice %arg5[%scatter3A_603, %scatter3A_604, %scatter3A_605] : memref<2x800x33xf32, #tpu.memory_space<vmem>> -> memref<1x800x33xf32, #tpu.memory_space<vmem>>
          %scatter3A_607 = tpu.memref_squeeze %scatter3A_606 : memref<1x800x33xf32, #tpu.memory_space<vmem>> -> memref<800x33xf32, #tpu.memory_space<vmem>>
          tpu.vector_store_idx %scatter3A_607[%add3A_223, %broadcast_in_dim3A_53], %get3A_509 : memref<800x33xf32, #tpu.memory_space<vmem>>[vector<16xi32>, vector<16xi32>], vector<16xf32>,
          %scatter3A_608 = arith.constant 1 : i32
          %scatter3A_609 = arith.constant 0 : i32
          %scatter3A_610 = arith.constant 0 : i32
          %scatter3A_611 = tpu.memref_slice %arg5[%scatter3A_608, %scatter3A_609, %scatter3A_610] : memref<2x800x33xf32, #tpu.memory_space<vmem>> -> memref<1x800x33xf32, #tpu.memory_space<vmem>>
          %scatter3A_612 = tpu.memref_squeeze %scatter3A_611 : memref<1x800x33xf32, #tpu.memory_space<vmem>> -> memref<800x33xf32, #tpu.memory_space<vmem>>
          tpu.vector_store_idx %scatter3A_612[%add3A_223, %broadcast_in_dim3A_55], %get3A_517 : memref<800x33xf32, #tpu.memory_space<vmem>>[vector<16xi32>, vector<16xi32>], vector<16xf32>,
          %scatter3A_613 = arith.constant 1 : i32
          %scatter3A_614 = arith.constant 0 : i32
          %scatter3A_615 = arith.constant 0 : i32
          %scatter3A_616 = tpu.memref_slice %arg5[%scatter3A_613, %scatter3A_614, %scatter3A_615] : memref<2x800x33xf32, #tpu.memory_space<vmem>> -> memref<1x800x33xf32, #tpu.memory_space<vmem>>
          %scatter3A_617 = tpu.memref_squeeze %scatter3A_616 : memref<1x800x33xf32, #tpu.memory_space<vmem>> -> memref<800x33xf32, #tpu.memory_space<vmem>>
          tpu.vector_store_idx %scatter3A_617[%add3A_223, %broadcast_in_dim3A_57], %get3A_525 : memref<800x33xf32, #tpu.memory_space<vmem>>[vector<16xi32>, vector<16xi32>], vector<16xf32>,
          %scatter3A_618 = arith.constant 1 : i32
          %scatter3A_619 = arith.constant 0 : i32
          %scatter3A_620 = arith.constant 0 : i32
          %scatter3A_621 = tpu.memref_slice %arg5[%scatter3A_618, %scatter3A_619, %scatter3A_620] : memref<2x800x33xf32, #tpu.memory_space<vmem>> -> memref<1x800x33xf32, #tpu.memory_space<vmem>>
          %scatter3A_622 = tpu.memref_squeeze %scatter3A_621 : memref<1x800x33xf32, #tpu.memory_space<vmem>> -> memref<800x33xf32, #tpu.memory_space<vmem>>
          tpu.vector_store_idx %scatter3A_622[%add3A_223, %broadcast_in_dim3A_59], %get3A_533 : memref<800x33xf32, #tpu.memory_space<vmem>>[vector<16xi32>, vector<16xi32>], vector<16xf32>,
          %scatter3A_623 = arith.constant 1 : i32
          %scatter3A_624 = arith.constant 0 : i32
          %scatter3A_625 = arith.constant 0 : i32
          %scatter3A_626 = tpu.memref_slice %arg5[%scatter3A_623, %scatter3A_624, %scatter3A_625] : memref<2x800x33xf32, #tpu.memory_space<vmem>> -> memref<1x800x33xf32, #tpu.memory_space<vmem>>
          %scatter3A_627 = tpu.memref_squeeze %scatter3A_626 : memref<1x800x33xf32, #tpu.memory_space<vmem>> -> memref<800x33xf32, #tpu.memory_space<vmem>>
          tpu.vector_store_idx %scatter3A_627[%add3A_223, %broadcast_in_dim3A_61], %get3A_541 : memref<800x33xf32, #tpu.memory_space<vmem>>[vector<16xi32>, vector<16xi32>], vector<16xf32>,
          %scatter3A_628 = arith.constant 1 : i32
          %scatter3A_629 = arith.constant 0 : i32
          %scatter3A_630 = arith.constant 0 : i32
          %scatter3A_631 = tpu.memref_slice %arg5[%scatter3A_628, %scatter3A_629, %scatter3A_630] : memref<2x800x33xf32, #tpu.memory_space<vmem>> -> memref<1x800x33xf32, #tpu.memory_space<vmem>>
          %scatter3A_632 = tpu.memref_squeeze %scatter3A_631 : memref<1x800x33xf32, #tpu.memory_space<vmem>> -> memref<800x33xf32, #tpu.memory_space<vmem>>
          tpu.vector_store_idx %scatter3A_632[%add3A_223, %broadcast_in_dim3A_63], %get3A_549 : memref<800x33xf32, #tpu.memory_space<vmem>>[vector<16xi32>, vector<16xi32>], vector<16xf32>,
          %scatter3A_633 = arith.constant 1 : i32
          %scatter3A_634 = arith.constant 0 : i32
          %scatter3A_635 = arith.constant 0 : i32
          %scatter3A_636 = tpu.memref_slice %arg5[%scatter3A_633, %scatter3A_634, %scatter3A_635] : memref<2x800x33xf32, #tpu.memory_space<vmem>> -> memref<1x800x33xf32, #tpu.memory_space<vmem>>
          %scatter3A_637 = tpu.memref_squeeze %scatter3A_636 : memref<1x800x33xf32, #tpu.memory_space<vmem>> -> memref<800x33xf32, #tpu.memory_space<vmem>>
          tpu.vector_store_idx %scatter3A_637[%add3A_223, %broadcast_in_dim3A_65], %get3A_557 : memref<800x33xf32, #tpu.memory_space<vmem>>[vector<16xi32>, vector<16xi32>], vector<16xf32>,
        }
        %scan3A_170 = arith.constant 50 : i32
        %jit3A = arith.constant 125 : i32
        %div3A = arith.divsi %add3A_126, %jit3A : i32
        %sign3A = arith.constant 0 : i32
        %sign3A_171 = arith.cmpi sgt, %add3A_126, %sign3A : i32
        %sign3A_172 = arith.extui %sign3A_171 : i1 to i32
        %sign3A_173 = arith.constant 0 : i32
        %sign3A_174 = arith.cmpi slt, %add3A_126, %sign3A_173 : i32
        %sign3A_175 = arith.extui %sign3A_174 : i1 to i32
        %sign3A_176 = arith.subi %sign3A_172, %sign3A_175 : i32
        %sign3A_177 = arith.constant 0 : i32
        %sign3A_178 = arith.cmpi sgt, %jit3A, %sign3A_177 : i32
        %sign3A_179 = arith.extui %sign3A_178 : i1 to i32
        %sign3A_180 = arith.constant 0 : i32
        %sign3A_181 = arith.cmpi slt, %jit3A, %sign3A_180 : i32
        %sign3A_182 = arith.extui %sign3A_181 : i1 to i32
        %sign3A_183 = arith.subi %sign3A_179, %sign3A_182 : i32
        %ne3A = arith.cmpi ne, %sign3A_176, %sign3A_183 : i32
        %rem3A = arith.remsi %add3A_126, %jit3A : i32
        %ne3A_184 = arith.constant 0 : i32
        %ne3A_185 = arith.cmpi ne, %rem3A, %ne3A_184 : i32
        %and3A = arith.andi %ne3A, %ne3A_185 : i1
        %sub3A = arith.constant 1 : i32
        %sub3A_186 = arith.subi %div3A, %sub3A : i32
        %select_n3A = arith.select %and3A, %sub3A_186, %div3A : i32
        %jit3A_187 = arith.constant 125 : i32
        %eq3A = arith.constant 0 : i32
        %eq3A_188 = arith.cmpi eq, %jit3A_187, %eq3A : i32
        %jit3A_189 = arith.constant 1 : i32
        %select_n3A_190 = arith.select %eq3A_188, %jit3A_189, %jit3A_187 : i32
        %rem3A_191 = arith.remsi %add3A_126, %select_n3A_190 : i32
        %ne3A_192 = arith.constant 0 : i32
        %ne3A_193 = arith.cmpi ne, %rem3A_191, %ne3A_192 : i32
        %lt3A_194 = arith.constant 0 : i32
        %lt3A_195 = arith.cmpi slt, %rem3A_191, %lt3A_194 : i32
        %lt3A_196 = arith.constant 0 : i32
        %lt3A_197 = arith.cmpi slt, %select_n3A_190, %lt3A_196 : i32
        %ne3A_198 = arith.xori %lt3A_195, %lt3A_197 : i1
        %and3A_199 = arith.andi %ne3A_198, %ne3A_193 : i1
        %add3A_200 = arith.addi %rem3A_191, %select_n3A_190 : i32
        %select_n3A_201 = arith.select %and3A_199, %add3A_200, %rem3A_191 : i32
        %mul3A_202 = arith.constant 800 : i32
        %mul3A_203 = arith.muli %select_n3A_201, %mul3A_202 : i32
        %mul3A_204 = arith.constant 100000 : i32
        %mul3A_205 = arith.muli %select_n3A, %mul3A_204 : i32
        %add3A_206 = arith.addi %mul3A_205, %mul3A_203 : i32
        %dma_start3A = arith.constant 1 : i32
        %dma_start3A_207 = arith.constant 0 : i32
        %dma_start3A_208 = arith.constant 0 : i32
        %dma_start3A_209 = tpu.memref_slice %arg5[%dma_start3A, %dma_start3A_207, %dma_start3A_208] : memref<2x800x33xf32, #tpu.memory_space<vmem>> -> memref<1x800x32xf32, #tpu.memory_space<vmem>>
        %dma_start3A_210 = tpu.memref_squeeze %dma_start3A_209 : memref<1x800x32xf32, #tpu.memory_space<vmem>> -> memref<800x32xf32, #tpu.memory_space<vmem>>
        %dma_start3A_211 = arith.constant 0 : i32
        %dma_start3A_212 = tpu.memref_slice %arg3[%add3A_206, %dma_start3A_211] : memref<2600000x32xf32, #tpu.memory_space<hbm>> -> memref<800x32xf32, #tpu.memory_space<hbm>>
        %dma_start3A_213 = arith.constant 0 : i32
        %dma_start3A_214 = tpu.memref_slice %arg3[%add3A_206, %dma_start3A_213] : memref<2600000x32xf32, #tpu.memory_space<hbm>> -> memref<800x32xf32, #tpu.memory_space<hbm>>
        %dma_start3A_215 = arith.constant 0 : i32
        %dma_start3A_216 = arith.constant 0 : i32
        %dma_start3A_217 = tpu.memref_slice %arg5[%dma_start3A, %dma_start3A_215, %dma_start3A_216] : memref<2x800x33xf32, #tpu.memory_space<vmem>> -> memref<1x800x32xf32, #tpu.memory_space<vmem>>
        %dma_start3A_218 = tpu.memref_squeeze %dma_start3A_217 : memref<1x800x32xf32, #tpu.memory_space<vmem>> -> memref<800x32xf32, #tpu.memory_space<vmem>>
        tpu.enqueue_dma source(%dma_start3A_218 : memref<800x32xf32, #tpu.memory_space<vmem>>) target(%dma_start3A_214 : memref<800x32xf32, #tpu.memory_space<hbm>>) target_semaphore(%arg9 : memref<!tpu.dma_semaphore, #tpu.memory_space<semaphore_mem>>)
      } else {
      }
    }
    %scan3A_72 = arith.constant 51 : i32
    %dma_wait3A = arith.constant 0 : i32
    %dma_wait3A_73 = arith.constant 0 : i32
    %dma_wait3A_74 = arith.constant 0 : i32
    %dma_wait3A_75 = tpu.memref_slice %arg5[%dma_wait3A, %dma_wait3A_73, %dma_wait3A_74] : memref<2x800x33xf32, #tpu.memory_space<vmem>> -> memref<1x800x32xf32, #tpu.memory_space<vmem>>
    %dma_wait3A_76 = tpu.memref_squeeze %dma_wait3A_75 : memref<1x800x32xf32, #tpu.memory_space<vmem>> -> memref<800x32xf32, #tpu.memory_space<vmem>>
    %dma_wait3A_77 = arith.constant 0 : i32
    %dma_wait3A_78 = arith.constant 0 : i32
    %dma_wait3A_79 = tpu.memref_slice %arg3[%dma_wait3A_77, %dma_wait3A_78] : memref<2600000x32xf32, #tpu.memory_space<hbm>> -> memref<800x32xf32, #tpu.memory_space<hbm>>
    %dma_wait3A_80 = arith.constant 0 : i32
    %dma_wait3A_81 = arith.constant 0 : i32
    %dma_wait3A_82 = tpu.memref_slice %arg3[%dma_wait3A_80, %dma_wait3A_81] : memref<2600000x32xf32, #tpu.memory_space<hbm>> -> memref<800x32xf32, #tpu.memory_space<hbm>>
    %dma_wait3A_83 = arith.constant 0 : i32
    %dma_wait3A_84 = arith.constant 0 : i32
    %dma_wait3A_85 = tpu.memref_slice %arg5[%dma_wait3A, %dma_wait3A_83, %dma_wait3A_84] : memref<2x800x33xf32, #tpu.memory_space<vmem>> -> memref<1x800x32xf32, #tpu.memory_space<vmem>>
    %dma_wait3A_86 = tpu.memref_squeeze %dma_wait3A_85 : memref<1x800x32xf32, #tpu.memory_space<vmem>> -> memref<800x32xf32, #tpu.memory_space<vmem>>
    tpu.wait_dma2 semaphore(%arg8 : memref<!tpu.dma_semaphore, #tpu.memory_space<semaphore_mem>>) src(%dma_wait3A_86 : memref<800x32xf32, #tpu.memory_space<vmem>>) dst(%dma_wait3A_82 : memref<800x32xf32, #tpu.memory_space<hbm>>)
    %dma_wait3A_87 = arith.constant 1 : i32
    %dma_wait3A_88 = arith.constant 0 : i32
    %dma_wait3A_89 = arith.constant 0 : i32
    %dma_wait3A_90 = tpu.memref_slice %arg5[%dma_wait3A_87, %dma_wait3A_88, %dma_wait3A_89] : memref<2x800x33xf32, #tpu.memory_space<vmem>> -> memref<1x800x32xf32, #tpu.memory_space<vmem>>
    %dma_wait3A_91 = tpu.memref_squeeze %dma_wait3A_90 : memref<1x800x32xf32, #tpu.memory_space<vmem>> -> memref<800x32xf32, #tpu.memory_space<vmem>>
    %dma_wait3A_92 = arith.constant 0 : i32
    %dma_wait3A_93 = arith.constant 0 : i32
    %dma_wait3A_94 = tpu.memref_slice %arg3[%dma_wait3A_92, %dma_wait3A_93] : memref<2600000x32xf32, #tpu.memory_space<hbm>> -> memref<800x32xf32, #tpu.memory_space<hbm>>
    %dma_wait3A_95 = arith.constant 0 : i32
    %dma_wait3A_96 = arith.constant 0 : i32
    %dma_wait3A_97 = tpu.memref_slice %arg3[%dma_wait3A_95, %dma_wait3A_96] : memref<2600000x32xf32, #tpu.memory_space<hbm>> -> memref<800x32xf32, #tpu.memory_space<hbm>>
    %dma_wait3A_98 = arith.constant 0 : i32
    %dma_wait3A_99 = arith.constant 0 : i32
    %dma_wait3A_100 = tpu.memref_slice %arg5[%dma_wait3A_87, %dma_wait3A_98, %dma_wait3A_99] : memref<2x800x33xf32, #tpu.memory_space<vmem>> -> memref<1x800x32xf32, #tpu.memory_space<vmem>>
    %dma_wait3A_101 = tpu.memref_squeeze %dma_wait3A_100 : memref<1x800x32xf32, #tpu.memory_space<vmem>> -> memref<800x32xf32, #tpu.memory_space<vmem>>
    tpu.wait_dma2 semaphore(%arg9 : memref<!tpu.dma_semaphore, #tpu.memory_space<semaphore_mem>>) src(%dma_wait3A_101 : memref<800x32xf32, #tpu.memory_space<vmem>>) dst(%dma_wait3A_97 : memref<800x32xf32, #tpu.memory_space<hbm>>)
    return
  }
}

</mosaic_0001>

<sc_bundles>
// kernel: _sc_transpose.3.cloned.1.call-start
scs
__scs_entry_jumppad:
0x0: {  	(pc) =	sbr.rel $0x88, $3  }
0x1: {  	(tag) =	ssettag $0x0;
	lr =	simm.s32 $0x1  }
0x2: {  	[smem:$0x3FA0] =	sst lr;
	_ =	strace $0xD0000000  }
0x3: {  	_ = 	snop  }
0x4: {  	_ = 	snop  }
0x5: {  	_ = 	snop  }
0x6: {  	_ = 	snop  }
0x7: {  	_ = 	snop  }
__scs_overlays_trampoline_lowered:
0x8: {  	[smem:$0x3FAF] =	sst s0  }
0x9: {  	[smem:$0x3FB0] =	sst s1  }
0xa: {  	[smem:$0x3FB1] =	sst s2  }
0xb: {  	[smem:$0x3FB2] =	sst s3  }
0xc: {  	[smem:$0x3FB3] =	sst s4  }
0xd: {  	[smem:$0x3FB4] =	sst s5  }
0xe: {  	[smem:$0x3FB5] =	sst s6  }
0xf: {  	[smem:$0x3FB6] =	sst s7  }
0x10: {  	[smem:$0x3FB7] =	sst s8  }
0x11: {  	[smem:$0x3FB8] =	sst s9;
	s0 =	simm.s32 @!p0 $0x0  }
0x12: {  	s1 =	sld [smem:$0x3F9E];
	s0 =	simm.s32 @p0 $0x1  }
0x13: {  	[smem:$0x3FB9] =	sst s0;
	s0 =	simm.s32 @!p1 $0x0  }
0x14: {  	s2 =	sld [smem:$0x3F9D];
	s0 =	simm.s32 @p1 $0x1  }
0x15: {  	[smem:$0x3FBA] =	sst s0;
	s0 =	simm.s32 @!p2 $0x0  }
0x16: {  	s3 =	sld [smem:$0x3FDB];
	s0 =	simm.s32 @p2 $0x1  }
0x17: {  	s4 =	simm.s32 $0x1BF5;
	[smem:$0x3FBC] =	sst s0  }
0x18: {  	s0 =	sld [smem:$0x3F9F];
	_ =	swait.ge [sflag:s4], $0x0  }
0x19: {  	s7 =	sld [smem:$0x3FA0]  }
0x1a: {  	s8 =	sadd.s32 $0xFFFFE003, lr  }
0x1b: {  	s9 =	sadd.s32 $0xFFFFFEF7, lr;
	s5 =	simm.s32 $0xFFFFFFFF;
	p2 =	slt.u32 s8, $0xFFFFF086  }
0x1c: {  	p1 =	slt.u32 s9, $0xF7A;
	s5 =	simm.s32 @!p2 $0x0  }
0x1d: {  	s5 =	simm.s32 @p1 $0x1;
	p0 =	seq.s32 s7, s2  }
0x1e: {  	s7 =	smul.u32 @!p0 $0xF7A, s2;
	p2 =	seq.s32 @!p0 s5, $0x0  }
0x1f: {  	s9 =	smul.u32 $0xF7A, s1;
	s8 =	simm.s32 @!p0 $0x1BF5;
	p2 =	por !p2, p0  }
0x20: {  	[sflag:s8] =	ssyncset.s32 @!p0 $0xFFFFF086;
	s6 =	sadd.s32 @!p0 s3, s7;
	s7 =	simm.s32 @!p0 $0x108  }
0x21: {  	s3 =	sadd.s32 s3, s9;
	s6 =	sadd.s32 @!p0 $0x88, s6;
	s7 =	simm.s32 @p2 $0x1082  }
0x22: {  	[simem:s7], [sflag:s8] =	dma.local @!p0 [hbm:s6], $0xF7A  }
0x23: {  	s9 =	sor.u32 $0xD0000000, s2;
	s6 =	simm.s32 $0x108;
	_ =	swait.ge @!p0 [sflag:s8], $0x0  }
0x24: {  	s3 =	sadd.s32 $0x88, s3;
	s6 =	simm.s32 @!p1 $0x1082;
	[sflag:s4] =	ssyncset.s32 $0xFFFFF086  }
0x25: {  	[simem:s6], [sflag:s4] =	dma.local [hbm:s3], $0xF7A  }
0x26: {  	[smem:$0x3FA0] =	sst s1;
	(tag) =	ssettag s2;
	_ =	strace s9  }
0x27: {  	s1 =	sld [smem:$0x3FB0]  }
0x28: {  	s2 =	sld [smem:$0x3FB1]  }
0x29: {  	s4 =	sld [smem:$0x3FB3]  }
0x2a: {  	p0 =	seq.s32 s5, $0x0;
	s5 =	sld [smem:$0x3FB4]  }
0x2b: {  	s6 =	sld [smem:$0x3FB5]  }
0x2c: {  	s7 =	sld [smem:$0x3FB6]  }
0x2d: {  	s3 =	simm.s32 $0x108;
	s8 =	sld [smem:$0x3FB7]  }
0x2e: {  	s3 =	simm.s32 @!p0 $0x1082;
	s9 =	sld [smem:$0x3FB8]  }
0x2f: {  	lr =	sadd.s32 s0, s3;
	s0 =	sld [smem:$0x3FAF]  }
0x30: {  	s3 =	sld [smem:$0x3FB2]  }
0x31: {  	[smem:$0x3FBB] =	sst s10  }
0x32: {  	s10 =	sld [smem:$0x3FB9];
	_ =	sdelay $0x3  }
0x33: {  	p0 =	seq.s32 s10, $0x1;
	s10 =	sld [smem:$0x3FBB];
	_ =	sdelay $0x3  }
0x34: {  	[smem:$0x3FBB] =	sst s10  }
0x35: {  	s10 =	sld [smem:$0x3FBA];
	_ =	sdelay $0x3  }
0x36: {  	p1 =	seq.s32 s10, $0x1;
	s10 =	sld [smem:$0x3FBB];
	_ =	sdelay $0x3  }
0x37: {  	[smem:$0x3FBB] =	sst s10  }
0x38: {  	s10 =	sld [smem:$0x3FBC]  }
0x39: {  	_ = 	snop;
	(pc) =	sbr.ind lr, $3  }
0x3a: {  	_ = 	snop  }
0x3b: {  	_ = 	snop  }
0x3c: {  	p2 =	seq.s32 s10, $0x1;
	s10 =	sld [smem:$0x3FBB]  }
0x3d: {  	_ =	shalt  }
0x3e: {  	_ =	shalt  }
0x3f: {  	_ =	shalt  }
0x40: {  	_ =	shalt  }
0x41: {  	_ =	shalt  }
0x42: {  	_ =	shalt  }
0x43: {  	_ =	shalt  }
0x44: {  	_ =	shalt  }
0x45: {  	_ =	shalt  }
0x46: {  	_ =	shalt  }
0x47: {  	_ =	shalt  }
0x48: {  	_ =	shalt  }
0x49: {  	_ =	shalt  }
0x4a: {  	_ =	shalt  }
0x4b: {  	_ =	shalt  }
0x4c: {  	_ =	shalt  }
0x4d: {  	_ =	shalt  }
0x4e: {  	_ =	shalt  }
0x4f: {  	_ =	shalt  }
0x50: {  	_ =	shalt  }
0x51: {  	_ =	shalt  }
0x52: {  	_ =	shalt  }
0x53: {  	_ =	shalt  }
0x54: {  	_ =	shalt  }
0x55: {  	_ =	shalt  }
0x56: {  	_ =	shalt  }
0x57: {  	_ =	shalt  }
0x58: {  	_ =	shalt  }
0x59: {  	_ =	shalt  }
0x5a: {  	_ =	shalt  }
0x5b: {  	_ =	shalt  }
0x5c: {  	_ =	shalt  }
0x5d: {  	_ =	shalt  }
0x5e: {  	_ =	shalt  }
0x5f: {  	_ =	shalt  }
0x60: {  	_ =	shalt  }
0x61: {  	_ =	shalt  }
0x62: {  	_ =	shalt  }
0x63: {  	_ =	shalt  }
0x64: {  	_ =	shalt  }
0x65: {  	_ =	shalt  }
0x66: {  	_ =	shalt  }
0x67: {  	_ =	shalt  }
0x68: {  	_ =	shalt  }
0x69: {  	_ =	shalt  }
0x6a: {  	_ =	shalt  }
0x6b: {  	_ =	shalt  }
0x6c: {  	_ =	shalt  }
0x6d: {  	_ =	shalt  }
0x6e: {  	_ =	shalt  }
0x6f: {  	_ =	shalt  }
0x70: {  	_ =	shalt  }
0x71: {  	_ =	shalt  }
0x72: {  	_ =	shalt  }
0x73: {  	_ =	shalt  }
0x74: {  	_ =	shalt  }
0x75: {  	_ =	shalt  }
0x76: {  	_ =	shalt  }
0x77: {  	_ =	shalt  }
0x78: {  	_ =	shalt  }
0x79: {  	_ =	shalt  }
0x7a: {  	_ =	shalt  }
0x7b: {  	_ =	shalt  }
0x7c: {  	_ =	shalt  }
0x7d: {  	_ =	shalt  }
0x7e: {  	_ =	shalt  }
0x7f: {  	_ =	shalt  }
0x80: {  	_ =	shalt  }
0x81: {  	_ =	shalt  }
0x82: {  	_ =	shalt  }
0x83: {  	_ =	shalt  }
0x84: {  	_ =	shalt  }
0x85: {  	_ =	shalt  }
0x86: {  	_ =	shalt  }
0x87: {  	_ =	shalt  }
.Lfunc_end0:
.L_simem_size_0:
called_computation.1_lowered:
.L_overlay_start_0:
0x88: {  	s2 =	sld [smem:$0x3FD9]  }
0x89: {  	s3 =	sld [smem:$0x3FFE];
	_ =	sdelay $0x1  }
0x8a: {  	s1 =	srdreg.scid  }
0x8b: {  	s0 =	sand.u32 $0x1, s1  }
0x8c: {  	s17 =	sshll.u32 s0, $0xA;
	s2 =	sadd.s32 s3, s2  }
0x8d: {  	s2 =	sadd.s32 s2, s17  }
0x8e: {  	[smem:$0x3FC7] =	sst s2  }
0x8f: {  	_ = 	snop  }
0x90: {  	s2 =	sld [smem:$0x3FD0];
	(tm) =	ssettm $0x1  }
0x91: {  	s18 =	sld [smem:$0x3FFB];
	_ =	sdelay $0x3  }
0x92: {  	_ =	strace s18  }
0x93: {  	s3 =	sld [smem:$0x3FFC];
	_ =	sdelay $0x3  }
0x94: {  	_ =	strace s3  }
0x95: {  	s3 =	sld [smem:$0x3FFD];
	_ =	sdelay $0x3  }
0x96: {  	_ =	strace s3  }
0x97: {  	_ =	strace $0x8FFFFFFF  }
0x98: {  	s19 =	sld [smem:$0x3FDB];
	_ =	sdelay $0x1  }
0x99: {  	s4 =	simm.s32 $_scs_section_size  }
0x9a: {  	s5 =	simm.s32 $_size__tile_overlayer_lowered;
	s6 =	simm.s32 $_tile_overlayer_lowered  }
0x9b: {  	s22 =	simm.s32 $0x1BFF;
	s21 =	sshll.u32 s6, $0x1;
	s3 =	sadd.s32 s4, s19  }
0x9c: {  	s7 =	simm.s32 $0x0;
	s20 =	sshll.u32 s5, $0x1;
	s5 =	sadd.s32 s21, s3  }
0x9d: {  	[timem:s7], [sflag:s22] =	dma.local [hbm:s5], s20  }
0x9e: {  	_ =	swait.ge [sflag:s22], s20  }
0x9f: {  	s4 =	ssub.s32 $0x0, s20;
	[sflag:s22] =	ssyncset.done $0x0  }
0xa0: {  	[sflag:s22] =	ssyncadd.s32 s4;
	_ =	sdelay $0x1  }
0xa1: {  	s23 =	simm.s32 $0x1B8B  }
0xa2: {  	_ =	swait.ge [sflag:s23], $0x1  }
0xa3: {  	[sflag:s23] =	ssyncset.done $0x0  }
0xa4: {  	s25 =	simm.s32 $0x1B8E;
	s24 =	sld [smem:$0x3FFE];
	[sflag:s23] =	ssyncadd.s32 $0xFFFFFFFF  }
0xa5: {  	s26 =	simm.s32 $execute0_lowered;
	[smem:$0x3FD2] =	sst s25  }
0xa6: {  	s5 =	sshll.u32 s26, $0x1;
	_ =	strace $0x80000046;
	[dreg:$0x1] =	wrdreg $0xFFFFFFFF  }
0xa7: {  	s28 =	simm.s32 $_size_execute0_lowered;
	s3 =	sadd.s32 s3, s5;
	[dreg:$0x0] =	wrdreg $0x0  }
0xa8: {  	s5 =	sshll.u32 s28, $0x1;
	[dreg:$0x2] =	wrdreg s3  }
0xa9: {  	[dreg:$0x3] =	wrdreg s5  }
0xaa: {  	[dreg:$0x4] =	wrdreg $0xC0  }
0xab: {  	_ =	task [dreg:s7], $0x5FFFF  }
0xac: {  	[dreg:$0x1] =	wrdreg $0xFFFFFFFF  }
0xad: {  	[dreg:$0x0] =	wrdreg $0x60  }
0xae: {  	[dreg:$0x2] =	wrdreg s2  }
0xaf: {  	[dreg:$0x3] =	wrdreg s24  }
0xb0: {  	[dreg:$0x4] =	wrdreg $0x9  }
0xb1: {  	_ =	task.clear_ibuf [dreg:s7], $0x5FFFF;
	_ =	strace $0x90000046  }
0xb2: {  	s29 =	simm.s32 $0x9;
	_ =	strace $0x80000048  }
0xb3: {  	_ =	swait.ge [sflag:s29], $0x1  }
0xb4: {  	[sflag:s29] =	ssyncadd.s32 $0xFFFFFFFF  }
0xb5: {  	_ =	strace $0x90000048  }
0xb6: {  	_ =	sfence  }
0xb7: {  	s30 =	sld [smem:$0x0];
	_ =	sdelay $0x2  }
0xb8: {  	s31 =	sshll.u32 s1, $0xD;
	s1 =	sshrl.u32 s1, $0x2  }
0xb9: {  	s3 =	sand.u32 $0x4000, s31;
	s1 =	sadd.s32 s1, s30  }
0xba: {  	s0 =	sor.u32 s3, s0;
	s1 =	sshll.u32 s1, $0x11  }
0xbb: {  	s0 =	sor.u32 s1, s0  }
0xbc: {  	s0 =	sadd.s32 $0x8F2B, s0  }
0xbd: {  	[sflag:s0] =	ssyncadd.remote.s32 $0x1  }
0xbe: {  	_ =	sfence.sel $0xFFFF  }
0xbf: {  	[dreg:$0x0] =	wrdreg $0xFFFFFFFF;
	(pc) =	sbr.abs _section_cstart, $3  }
0xc0: {  	[dreg:$0x1] =	wrdreg $0xFFFFFFFF  }
0xc1: {  	_ =	task.clear_ibuf [dreg:s7], $0x2FFFF;
	_ =	strace $0x9FFFFFFF  }
0xc2: {  	(tm) =	ssettm $0x7FFFFFFF  }
0xc3: {  	_ =	shalt  }
tec
execute0_lowered:
.L_overlay_start_1:
0x0: {  	(tag) =	ssettag $0x1  }
0x1: {  	s1 =	srdreg.scid;
	s0 =	stileid.u32  }
0x2: {  	s5 =	sand.u32 $0x1, s1;
	s29 =	sshll.u32 s0, $0x1  }
0x3: {  	v0 =	vlaneseq.u32;
	s1 =	sor.u32 s5, s29  }
0x4: {  	v0 =	vmul.u32 $0x28, v0;
	s2 =	smul.u32 $0x68772, s1  }
0x5: {  	s6 =	rddreg [dreg:$0x1]  }
0x6: {  	s10 =	simm.s32 $0x320;
	s1 =	smul.u32 $0x66, s1;
	v1 =	vor.u32 $0x1, v0;
	s3 =	sshrl.u32 s2, $0x13  }
0x7: {  	s11 =	simm.s32 $0x186A0;
	s12 =	simm.s32 $0x1;
	v2 =	vor.u32 $0x2, v0;
	v3 =	vor.u32 $0x3, v0;
	v4 =	vor.u32 $0x4, v0;
	s4 =	smul.u32 $0x7D, s3  }
0x8: {  	s13 =	simm.s32 $0xC800;
	s14 =	simm.s32 $0x2;
	s15 =	simm.s32 $0x14500;
	v5 =	vor.u32 $0x5, v0;
	v6 =	vor.u32 $0x6, v0;
	v7 =	vor.u32 $0x7, v0  }
0x9: {  	s16 =	simm.s32 $0x3;
	s17 =	simm.s32 $0x4;
	v8 =	vadd.s32 $0x8, v0;
	v9 =	vadd.s32 $0x9, v0;
	v10 =	vadd.s32 $0xA, v0;
	s4 =	ssub.s32 s1, s4  }
0xa: {  	s9 =	ssub.s32 $0x2, s5;
	v11 =	vadd.s32 $0xB, v0;
	v12 =	vadd.s32 $0xC, v0;
	v13 =	vadd.s32 $0xD, v0;
	s7 =	smul.u32 $0x30D400, s3;
	s8 =	sand.u32 $0xFFFF, s4  }
0xb: {  	s18 =	simm.s32 $0x0;
	s30 =	sshrl.u32 s9, $0x1;
	v14 =	vadd.s32 $0xE, v0;
	v15 =	vadd.s32 $0xF, v0;
	v16 =	vadd.s32 $0x10, v0;
	s8 =	smul.u32 $0x320, s8  }
.Ltmp0:
0xc: {  	s5 =	sadd.s32 $0x800, s6;
	v17 =	vadd.s32 $0x11, v0;
	v18 =	vadd.s32 $0x12, v0;
	v19 =	vadd.s32 $0x13, v0;
	s9 =	ssub.s32 s9, s30;
	(pc) =	sbr.rel .LBB2_1-.Ltmp0, $4  }
0xd: {  	v20 =	vadd.s32 $0x14, v0;
	v21 =	vadd.s32 $0x15, v0;
	v22 =	vadd.s32 $0x16, v0;
	s2 =	rddreg [dreg:$0x0];
	s31 =	smin.u32 s1, $0xC4C;
	s4 =	simm.s32 $0x0  }
0xe: {  	v23 =	vadd.s32 $0x17, v0;
	v24 =	vadd.s32 $0x18, v0;
	v25 =	vadd.s32 $0x19, v0;
	s9 =	smax.u32 s9, $0x1;
	[smem:$0x7FF] =	sst s4;
	s7 =	sadd.s32 s8, s7  }
0xf: {  	v26 =	vadd.s32 $0x1A, v0;
	v27 =	vadd.s32 $0x1B, v0;
	v28 =	vadd.s32 $0x1C, v0;
	s3 =	rddreg [dreg:$0x2];
	_ =	strace $0x80000047;
	s7 =	sshrl.u32 s7, $0x3  }
0x10: {  	v29 =	vadd.s32 $0x1D, v0;
	v30 =	vadd.s32 $0x1E, v0;
	v31 =	vadd.s32 $0x1F, v0;
	s8 =	sadd.s32 $0x2, s1;
	s6 =	sadd.s32 s2, s7;
	s7 =	sadd.s32 $0x66, s31  }
.LBB2_15:
0x11: {  	s18 =	sadd.s32 $0x1, s18  }
0x12: {  	_ =	swait.ge [sflag:s16], $0x6400;
	p0 =	sne.s32 s18, s9  }
.Ltmp1:
0x13: {  	[sflag:s16] =	ssyncset.done $0x0;
	(pc) =	sbr.rel @!p0 .LBB2_16-.Ltmp1, $4  }
0x14: {  	[sflag:s16] =	ssyncadd.s32 $0xFFFF9C00  }
0x15: {  	_ =	swait.ge [sflag:s17], $0x6400  }
0x16: {  	[sflag:s17] =	ssyncset.done $0x0  }
0x17: {  	[sflag:s17] =	ssyncadd.s32 $0xFFFF9C00  }
.LBB2_1:
.Ltmp2:
0x18: {  	(pc) =	sbr.rel .LBB2_2-.Ltmp2, $3  }
0x19: {  	_ =	sdelay $0x1  }
0x1a: {  	[tilespmem:s4], [sflag:$0x1] =	stream.strided.gather [hbm4b:s6+s10], $0x6400, s11, s10, $0x38;
	[tilespmem:$0x1C200] =	vst v63  }
0x1b: {  	s19 =	simm.s32 $0x0  }
.LBB2_14:
0x1c: {  	s19 =	sadd.s32 $0x1, s19  }
0x1d: {  	p0 =	sne.s32 s19, $0x33  }
.Ltmp3:
0x1e: {  	_ = 	snop;
	(pc) =	sbr.rel @!p0 .LBB2_15-.Ltmp3, $1  }
0x1f: {  	_ =	sdelay $0x3  }
.LBB2_2:
0x20: {  	s20 =	sshll.u32 s19, $0x1  }
0x21: {  	s21 =	sadd.s32 s1, s20  }
0x22: {  	s20 =	sor.u32 $0x1, s21  }
0x23: {  	p0 =	sge.u32 s20, s7  }
0x24: {  	s22 =	smulhi.u32 @!p0 $0x10624DD3, s20;
	_ =	sdelay $0x1  }
0x25: {  	s22 =	sshrl.u32 @!p0 s22, $0x3  }
0x26: {  	s23 =	smul.u32 @!p0 $0x7D, s22;
	_ =	sdelay $0x1  }
0x27: {  	s22 =	smul.u32 @!p0 $0x30D400, s22;
	s23 =	ssub.s32 @!p0 s20, s23  }
0x28: {  	s23 =	smul.u32 @!p0 $0x320, s23;
	_ =	sdelay $0x1  }
0x29: {  	s22 =	sadd.s32 @!p0 s23, s22  }
0x2a: {  	s24 =	simm.s32 @!p0 $0x186A0;
	s22 =	sshrl.u32 @!p0 s22, $0x3  }
0x2b: {  	s25 =	simm.s32 @!p0 $0x6400;
	s23 =	simm.s32 @!p0 $0x320;
	s22 =	sadd.s32 @!p0 s2, s22  }
0x2c: {  	[tilespmem:s25], [sflag:$0x2] =	stream.strided.gather @!p0 [hbm4b:s22+s23], $0x6400, s24, s23, $0x38;
	[tilespmem:$0x1C200] =	vst v63  }
0x2d: {  	p0 =	sgt.u32 s21, $0xCB1  }
.Ltmp4:
0x2e: {  	_ = 	snop;
	(pc) =	sbr.rel @p0 .LBB2_8-.Ltmp4, $1  }
0x2f: {  	_ =	sdelay $0x3  }
0x30: {  	_ =	swait.ge [sflag:s12], $0x6400  }
0x31: {  	p1 =	seq.s32 s19, $0x0;
	[sflag:s12] =	ssyncset.done $0x0  }
0x32: {  	s22 =	simm.s32 @!p1 $0x3;
	[sflag:s12] =	ssyncadd.s32 $0xFFFF9C00  }
0x33: {  	_ =	swait.ge @!p1 [sflag:s22], $0x6400  }
0x34: {  	[sflag:s22] =	ssyncset.done @!p1 $0x0  }
0x35: {  	s23 =	simm.s32 $0x0;
	[sflag:s22] =	ssyncadd.s32 @!p1 $0xFFFF9C00  }
0x36: {  	v33 =	vld [tilespmem:s23+$0x2EE0]  }
0x37: {  	v34 =	vld [tilespmem:s23+$0x2BC0]  }
0x38: {  	v35 =	vld [tilespmem:s23+$0xC80]  }
0x39: {  	v36 =	vld [tilespmem:s23+$0x960]  }
0x3a: {  	s22 =	simm.s32 $0x0;
	v37 =	vld [tilespmem:s23+$0x640]  }
0x3b: {  	v38 =	vld [tilespmem:s23+$0x320];
	v32 =	vmov s22  }
0x3c: {  	v39 =	vld [tilespmem:s23+$0x0];
	v32 =	vmul.u32 $0x28, v32  }
0x3d: {  	v40 =	vld [tilespmem:s23+$0xFA0]  }
0x3e: {  	v41 =	vld [tilespmem:s23+$0x12C0];
	v32 =	vbroadcast v32, $0x0  }
0x3f: {  	v42 =	vld [tilespmem:s23+$0x15E0]  }
0x40: {  	v43 =	vld [tilespmem:s23+$0x1900];
	v44 =	vadd.s32 v0, v32  }
0x41: {  	v45 =	vld [tilespmem:s23+$0x1C20];
	v46 =	vadd.s32 v1, v32  }
0x42: {  	v47 =	vld [tilespmem:s23+$0x1F40];
	v48 =	vadd.s32 v2, v32  }
0x43: {  	v49 =	vld [tilespmem:s23+$0x2260];
	v50 =	vadd.s32 v3, v32  }
0x44: {  	v51 =	vld [tilespmem:s23+$0x2580];
	v52 =	vadd.s32 v4, v32  }
0x45: {  	v53 =	vld [tilespmem:s23+$0x28A0];
	v54 =	vadd.s32 v5, v32;
	[tilespmem:v44+s13+$0x0] =	vst.idx.msk $0xffff, v39  }
0x46: {  	v44 =	vadd.s32 v6, v32;
	[tilespmem:v46+s13+$0x0] =	vst.idx.msk $0xffff, v38  }
0x47: {  	v46 =	vadd.s32 v7, v32;
	[tilespmem:v48+s13+$0x0] =	vst.idx.msk $0xffff, v37  }
0x48: {  	v55 =	vadd.s32 v8, v32;
	[tilespmem:v50+s13+$0x0] =	vst.idx.msk $0xffff, v36  }
0x49: {  	v56 =	vadd.s32 v9, v32;
	[tilespmem:v52+s13+$0x0] =	vst.idx.msk $0xffff, v35  }
0x4a: {  	v57 =	vadd.s32 v10, v32;
	[tilespmem:v54+s13+$0x0] =	vst.idx.msk $0xffff, v40  }
0x4b: {  	v58 =	vadd.s32 v11, v32;
	[tilespmem:v44+s13+$0x0] =	vst.idx.msk $0xffff, v41  }
0x4c: {  	v59 =	vadd.s32 v12, v32;
	[tilespmem:v46+s13+$0x0] =	vst.idx.msk $0xffff, v42  }
0x4d: {  	v60 =	vadd.s32 v13, v32;
	[tilespmem:v55+s13+$0x0] =	vst.idx.msk $0xffff, v43  }
0x4e: {  	v61 =	vadd.s32 v14, v32;
	[tilespmem:v56+s13+$0x0] =	vst.idx.msk $0xffff, v45  }
0x4f: {  	v62 =	vadd.s32 v15, v32;
	[tilespmem:v57+s13+$0x0] =	vst.idx.msk $0xffff, v47  }
0x50: {  	[tilespmem:v58+s13+$0x0] =	vst.idx.msk $0xffff, v49  }
0x51: {  	[tilespmem:v59+s13+$0x0] =	vst.idx.msk $0xffff, v51  }
0x52: {  	[tilespmem:v60+s13+$0x0] =	vst.idx.msk $0xffff, v53  }
0x53: {  	[tilespmem:v61+s13+$0x0] =	vst.idx.msk $0xffff, v34  }
0x54: {  	[tilespmem:v62+s13+$0x0] =	vst.idx.msk $0xffff, v33  }
0x55: {  	v34 =	vld [tilespmem:s23+$0x60E0]  }
0x56: {  	v45 =	vld [tilespmem:s23+$0x3520]  }
0x57: {  	v36 =	vld [tilespmem:s23+$0x5460]  }
0x58: {  	v35 =	vld [tilespmem:s23+$0x5AA0]  }
0x59: {  	v38 =	vld [tilespmem:s23+$0x47E0]  }
0x5a: {  	v40 =	vld [tilespmem:s23+$0x44C0]  }
0x5b: {  	v42 =	vld [tilespmem:s23+$0x41A0]  }
0x5c: {  	v44 =	vld [tilespmem:s23+$0x3E80]  }
0x5d: {  	v46 =	vld [tilespmem:s23+$0x3B60]  }
0x5e: {  	v48 =	vld [tilespmem:s23+$0x3840]  }
0x5f: {  	v63 =	vadd.s32 v16, v32;
	v55 =	vld [tilespmem:s23+$0x3200]  }
0x60: {  	v37 =	vld [tilespmem:s23+$0x5DC0]  }
0x61: {  	v54 =	vadd.s32 v17, v32;
	v39 =	vld [tilespmem:s23+$0x5780]  }
0x62: {  	v53 =	vadd.s32 v18, v32;
	v41 =	vld [tilespmem:s23+$0x5140]  }
0x63: {  	v50 =	vadd.s32 v20, v32;
	v52 =	vadd.s32 v19, v32;
	v49 =	vadd.s32 v22, v32;
	v43 =	vld [tilespmem:s23+$0x4E20]  }
0x64: {  	v51 =	vadd.s32 v21, v32;
	v33 =	vadd.s32 v23, v32;
	v47 =	vld [tilespmem:s23+$0x4B00];
	s23 =	simm.s32 $0x40;
	[tilespmem:v63+s13+$0x0] =	vst.idx.msk $0xffff, v55  }
.LBB2_4:
0x65: {  	p1 =	sne.s32 s23, $0xC40  }
0x66: {  	[tilespmem:v54+s13+$0x0] =	vst.idx.msk $0xffff, v45;
	s22 =	sadd.s32 $0x10, s22;
	s24 =	smov.u32 s23;
	s23 =	sadd.s32 $0x40, s23  }
0x67: {  	v45 =	vadd.s32 v24, v32;
	[tilespmem:v53+s13+$0x0] =	vst.idx.msk $0xffff, v48  }
0x68: {  	[tilespmem:v52+s13+$0x0] =	vst.idx.msk $0xffff, v46;
	v46 =	vadd.s32 v25, v32  }
0x69: {  	[tilespmem:v50+s13+$0x0] =	vst.idx.msk $0xffff, v44;
	v44 =	vadd.s32 v26, v32  }
0x6a: {  	[tilespmem:v51+s13+$0x0] =	vst.idx.msk $0xffff, v42;
	v42 =	vadd.s32 v27, v32  }
0x6b: {  	[tilespmem:v49+s13+$0x0] =	vst.idx.msk $0xffff, v40;
	v40 =	vadd.s32 v28, v32  }
0x6c: {  	[tilespmem:v33+s13+$0x0] =	vst.idx.msk $0xffff, v38;
	v33 =	vadd.s32 v29, v32  }
0x6d: {  	v38 =	vadd.s32 v30, v32;
	[tilespmem:v45+s13+$0x0] =	vst.idx.msk $0xffff, v47  }
0x6e: {  	v32 =	vadd.s32 v31, v32;
	[tilespmem:v46+s13+$0x0] =	vst.idx.msk $0xffff, v43  }
0x6f: {  	[tilespmem:v44+s13+$0x0] =	vst.idx.msk $0xffff, v41  }
0x70: {  	[tilespmem:v42+s13+$0x0] =	vst.idx.msk $0xffff, v36  }
0x71: {  	[tilespmem:v40+s13+$0x0] =	vst.idx.msk $0xffff, v39  }
0x72: {  	[tilespmem:v33+s13+$0x0] =	vst.idx.msk $0xffff, v35  }
0x73: {  	[tilespmem:v38+s13+$0x0] =	vst.idx.msk $0xffff, v37  }
0x74: {  	s24 =	sshra.s32 s24, $0x2;
	[tilespmem:v32+s13+$0x0] =	vst.idx.msk $0xffff, v34  }
0x75: {  	v34 =	vld [tilespmem:s24+$0x2EE0]  }
0x76: {  	v35 =	vld [tilespmem:s24+$0x2BC0]  }
0x77: {  	v36 =	vld [tilespmem:s24+$0xC80]  }
0x78: {  	v32 =	vmov s22;
	v37 =	vld [tilespmem:s24+$0x960]  }
0x79: {  	v32 =	vmul.u32 $0x28, v32;
	v38 =	vld [tilespmem:s24+$0x640]  }
0x7a: {  	v39 =	vld [tilespmem:s24+$0x320]  }
0x7b: {  	v32 =	vbroadcast v32, $0x0;
	v40 =	vld [tilespmem:s24+$0x0]  }
0x7c: {  	v41 =	vld [tilespmem:s24+$0xFA0]  }
0x7d: {  	v43 =	vadd.s32 v0, v32;
	v33 =	vadd.s32 v23, v32;
	v42 =	vld [tilespmem:s24+$0x12C0]  }
0x7e: {  	v45 =	vadd.s32 v1, v32;
	v44 =	vld [tilespmem:s24+$0x15E0]  }
0x7f: {  	v47 =	vadd.s32 v2, v32;
	v46 =	vld [tilespmem:s24+$0x1900]  }
0x80: {  	v49 =	vadd.s32 v3, v32;
	v48 =	vld [tilespmem:s24+$0x1C20]  }
0x81: {  	v51 =	vadd.s32 v4, v32;
	v50 =	vld [tilespmem:s24+$0x1F40]  }
0x82: {  	v53 =	vadd.s32 v5, v32;
	v52 =	vld [tilespmem:s24+$0x2260]  }
0x83: {  	v55 =	vadd.s32 v6, v32;
	v54 =	vld [tilespmem:s24+$0x2580]  }
0x84: {  	v57 =	vadd.s32 v7, v32;
	v56 =	vld [tilespmem:s24+$0x28A0]  }
0x85: {  	[tilespmem:v43+s13+$0x0] =	vst.idx.msk $0xffff, v40;
	v40 =	vadd.s32 v8, v32  }
0x86: {  	[tilespmem:v45+s13+$0x0] =	vst.idx.msk $0xffff, v39;
	v39 =	vadd.s32 v9, v32  }
0x87: {  	[tilespmem:v47+s13+$0x0] =	vst.idx.msk $0xffff, v38;
	v38 =	vadd.s32 v10, v32  }
0x88: {  	[tilespmem:v49+s13+$0x0] =	vst.idx.msk $0xffff, v37;
	v37 =	vadd.s32 v11, v32  }
0x89: {  	[tilespmem:v51+s13+$0x0] =	vst.idx.msk $0xffff, v36;
	v36 =	vadd.s32 v12, v32  }
0x8a: {  	[tilespmem:v53+s13+$0x0] =	vst.idx.msk $0xffff, v41;
	v41 =	vadd.s32 v13, v32  }
0x8b: {  	[tilespmem:v55+s13+$0x0] =	vst.idx.msk $0xffff, v42;
	v42 =	vadd.s32 v14, v32  }
0x8c: {  	[tilespmem:v57+s13+$0x0] =	vst.idx.msk $0xffff, v44  }
0x8d: {  	[tilespmem:v40+s13+$0x0] =	vst.idx.msk $0xffff, v46  }
0x8e: {  	[tilespmem:v39+s13+$0x0] =	vst.idx.msk $0xffff, v48  }
0x8f: {  	[tilespmem:v38+s13+$0x0] =	vst.idx.msk $0xffff, v50;
	v38 =	vadd.s32 v15, v32  }
0x90: {  	[tilespmem:v37+s13+$0x0] =	vst.idx.msk $0xffff, v52  }
0x91: {  	[tilespmem:v36+s13+$0x0] =	vst.idx.msk $0xffff, v54  }
0x92: {  	[tilespmem:v41+s13+$0x0] =	vst.idx.msk $0xffff, v56  }
0x93: {  	[tilespmem:v42+s13+$0x0] =	vst.idx.msk $0xffff, v35  }
0x94: {  	[tilespmem:v38+s13+$0x0] =	vst.idx.msk $0xffff, v34  }
0x95: {  	v34 =	vld [tilespmem:s24+$0x60E0]  }
0x96: {  	v45 =	vld [tilespmem:s24+$0x3520]  }
0x97: {  	v36 =	vld [tilespmem:s24+$0x5460]  }
0x98: {  	v35 =	vld [tilespmem:s24+$0x5AA0]  }
0x99: {  	v38 =	vld [tilespmem:s24+$0x47E0]  }
0x9a: {  	v40 =	vld [tilespmem:s24+$0x44C0]  }
0x9b: {  	v42 =	vld [tilespmem:s24+$0x41A0]  }
0x9c: {  	v44 =	vld [tilespmem:s24+$0x3E80]  }
0x9d: {  	v46 =	vld [tilespmem:s24+$0x3B60]  }
0x9e: {  	v48 =	vld [tilespmem:s24+$0x3840]  }
0x9f: {  	v49 =	vadd.s32 v16, v32;
	v37 =	vld [tilespmem:s24+$0x5DC0]  }
0xa0: {  	v54 =	vadd.s32 v17, v32;
	v55 =	vld [tilespmem:s24+$0x3200]  }
.Ltmp5:
0xa1: {  	v53 =	vadd.s32 v18, v32;
	v39 =	vld [tilespmem:s24+$0x5780];
	(pc) =	sbr.rel @p1 .LBB2_4-.Ltmp5, $4  }
0xa2: {  	v52 =	vadd.s32 v19, v32;
	v41 =	vld [tilespmem:s24+$0x5140]  }
0xa3: {  	v50 =	vadd.s32 v20, v32;
	v43 =	vld [tilespmem:s24+$0x4E20]  }
0xa4: {  	v51 =	vadd.s32 v21, v32;
	v47 =	vld [tilespmem:s24+$0x4B00]  }
0xa5: {  	[tilespmem:v49+s13+$0x0] =	vst.idx.msk $0xffff, v55;
	v49 =	vadd.s32 v22, v32  }
0xa6: {  	_ = 	snop  }
0xa7: {  	s22 =	smul.u32 $0x625, s21;
	_ =	sdelay $0x1  }
0xa8: {  	s22 =	sshrl.u32 s22, $0x10  }
0xa9: {  	[tilespmem:v54+s13+$0x0] =	vst.idx.msk $0xffff, v45;
	s23 =	ssub.s32 s21, s22  }
0xaa: {  	[tilespmem:v53+s13+$0x0] =	vst.idx.msk $0xffff, v48;
	s23 =	sand.u32 $0xFFFE, s23  }
0xab: {  	v56 =	vadd.s32 v24, v32;
	[tilespmem:v52+s13+$0x0] =	vst.idx.msk $0xffff, v46;
	s23 =	sshrl.u32 s23, $0x1  }
0xac: {  	v57 =	vadd.s32 v25, v32;
	[tilespmem:v50+s13+$0x0] =	vst.idx.msk $0xffff, v44;
	s22 =	sadd.s32 s22, s23  }
0xad: {  	v58 =	vadd.s32 v26, v32;
	[tilespmem:v51+s13+$0x0] =	vst.idx.msk $0xffff, v42;
	s22 =	sand.u32 $0xFFC0, s22  }
0xae: {  	v59 =	vadd.s32 v27, v32;
	[tilespmem:v49+s13+$0x0] =	vst.idx.msk $0xffff, v40;
	s22 =	sshrl.u32 s22, $0x6  }
0xaf: {  	v60 =	vadd.s32 v28, v32;
	[tilespmem:v33+s13+$0x0] =	vst.idx.msk $0xffff, v38;
	s31 =	smul.u32 $0x7D, s22  }
0xb0: {  	v61 =	vadd.s32 v29, v32;
	[tilespmem:v56+s13+$0x0] =	vst.idx.msk $0xffff, v47  }
0xb1: {  	v62 =	vadd.s32 v30, v32;
	[tilespmem:v57+s13+$0x0] =	vst.idx.msk $0xffff, v43;
	s23 =	ssub.s32 s21, s31  }
0xb2: {  	v63 =	vadd.s32 v31, v32;
	[tilespmem:v58+s13+$0x0] =	vst.idx.msk $0xffff, v41;
	s22 =	smul.u32 $0x61A80, s22;
	s23 =	sand.u32 $0xFFFF, s23  }
0xb3: {  	[tilespmem:v59+s13+$0x0] =	vst.idx.msk $0xffff, v36;
	s23 =	smul.u32 $0xC80, s23  }
0xb4: {  	[tilespmem:v60+s13+$0x0] =	vst.idx.msk $0xffff, v39  }
0xb5: {  	[tilespmem:v61+s13+$0x0] =	vst.idx.msk $0xffff, v35;
	s22 =	sadd.s32 s23, s22  }
0xb6: {  	s24 =	simm.s32 $0x4;
	[tilespmem:v62+s13+$0x0] =	vst.idx.msk $0xffff, v37;
	s22 =	sadd.s32 s5, s22  }
0xb7: {  	s25 =	simm.s32 $0xC828;
	[tilespmem:v63+s13+$0x0] =	vst.idx.msk $0xffff, v34;
	s23 =	simm.s32 $0xC800;
	s26 =	sadd.s32 $0x0, s22  }
.LBB2_6:
0xb8: {  	[hbm4b:s26+s4] =	stream.linear.scatter [tilespmem:s23], [sflag:$0x3], $0x20, $0x38;
	[tilespmem:$0x1C200] =	vst v63  }
0xb9: {  	s26 =	smov.u32 s24;
	s23 =	smov.u32 s25;
	p1 =	sne.s32 s24, $0xC7C  }
.Ltmp6:
0xba: {  	s24 =	sadd.s32 $0x4, s24;
	(pc) =	sbr.rel @p1 .LBB2_6-.Ltmp6, $2  }
0xbb: {  	_ =	sdelay $0x2  }
0xbc: {  	s25 =	sadd.s32 $0x28, s25;
	s26 =	sadd.s32 s26, s22  }
0xbd: {  	[hbm4b:s26+s4] =	stream.linear.scatter [tilespmem:s23], [sflag:$0x3], $0x20, $0x38;
	[tilespmem:$0x1C200] =	vst v63  }
.LBB2_8:
0xbe: {  	s21 =	sadd.s32 $0x2, s21  }
0xbf: {  	p1 =	sge.u32 s21, s7  }
0xc0: {  	s22 =	smulhi.u32 @!p1 $0x10624DD3, s21;
	_ =	sdelay $0x1  }
0xc1: {  	s22 =	sshrl.u32 @!p1 s22, $0x3  }
0xc2: {  	s23 =	smul.u32 @!p1 $0x7D, s22;
	_ =	sdelay $0x1  }
0xc3: {  	s22 =	smul.u32 @!p1 $0x30D400, s22;
	s21 =	ssub.s32 @!p1 s21, s23  }
0xc4: {  	s21 =	smul.u32 @!p1 $0x320, s21  }
.Ltmp7:
0xc5: {  	_ = 	snop;
	(pc) =	sbr.rel @p0 .LBB2_14-.Ltmp7, $4  }
0xc6: {  	s21 =	sadd.s32 @!p1 s21, s22  }
0xc7: {  	s24 =	simm.s32 @!p1 $0x0;
	s21 =	sshrl.u32 @!p1 s21, $0x3  }
0xc8: {  	s23 =	simm.s32 @!p1 $0x186A0;
	s22 =	simm.s32 @!p1 $0x320;
	s21 =	sadd.s32 @!p1 s2, s21  }
0xc9: {  	[tilespmem:s24], [sflag:$0x1] =	stream.strided.gather @!p1 [hbm4b:s21+s22], $0x6400, s23, s22, $0x38;
	[tilespmem:$0x1C200] =	vst v63  }
0xca: {  	_ =	swait.ge [sflag:s14], $0x6400  }
0xcb: {  	p0 =	slt.u32 s20, s8;
	[sflag:s14] =	ssyncset.done $0x0  }
0xcc: {  	s21 =	simm.s32 @!p0 $0x4;
	[sflag:s14] =	ssyncadd.s32 $0xFFFF9C00  }
0xcd: {  	_ =	swait.ge @!p0 [sflag:s21], $0x6400  }
0xce: {  	[sflag:s21] =	ssyncset.done @!p0 $0x0  }
0xcf: {  	s22 =	simm.s32 $0x0;
	[sflag:s21] =	ssyncadd.s32 @!p0 $0xFFFF9C00  }
0xd0: {  	v33 =	vld [tilespmem:s22+$0x92E0]  }
0xd1: {  	v34 =	vld [tilespmem:s22+$0x8FC0]  }
0xd2: {  	v35 =	vld [tilespmem:s22+$0x7080]  }
0xd3: {  	v36 =	vld [tilespmem:s22+$0x6D60]  }
0xd4: {  	s21 =	simm.s32 $0x0;
	v37 =	vld [tilespmem:s22+$0x6A40]  }
0xd5: {  	v38 =	vld [tilespmem:s22+$0x6720];
	v32 =	vmov s21  }
0xd6: {  	v39 =	vld [tilespmem:s22+$0x6400];
	v32 =	vmul.u32 $0x28, v32  }
0xd7: {  	v40 =	vld [tilespmem:s22+$0x73A0]  }
0xd8: {  	v41 =	vld [tilespmem:s22+$0x76C0];
	v32 =	vbroadcast v32, $0x0  }
0xd9: {  	v42 =	vld [tilespmem:s22+$0x79E0]  }
0xda: {  	v43 =	vld [tilespmem:s22+$0x7D00];
	v44 =	vadd.s32 v0, v32  }
0xdb: {  	v45 =	vld [tilespmem:s22+$0x8020];
	v46 =	vadd.s32 v1, v32  }
0xdc: {  	v47 =	vld [tilespmem:s22+$0x8340];
	v48 =	vadd.s32 v2, v32  }
0xdd: {  	v49 =	vld [tilespmem:s22+$0x8660];
	v50 =	vadd.s32 v3, v32  }
0xde: {  	v51 =	vld [tilespmem:s22+$0x8980];
	v52 =	vadd.s32 v4, v32  }
0xdf: {  	v53 =	vld [tilespmem:s22+$0x8CA0];
	v54 =	vadd.s32 v5, v32;
	[tilespmem:v44+s15+$0x0] =	vst.idx.msk $0xffff, v39  }
0xe0: {  	v44 =	vadd.s32 v6, v32;
	[tilespmem:v46+s15+$0x0] =	vst.idx.msk $0xffff, v38  }
0xe1: {  	v46 =	vadd.s32 v7, v32;
	[tilespmem:v48+s15+$0x0] =	vst.idx.msk $0xffff, v37  }
0xe2: {  	v55 =	vadd.s32 v8, v32;
	[tilespmem:v50+s15+$0x0] =	vst.idx.msk $0xffff, v36  }
0xe3: {  	v56 =	vadd.s32 v9, v32;
	[tilespmem:v52+s15+$0x0] =	vst.idx.msk $0xffff, v35  }
0xe4: {  	v57 =	vadd.s32 v10, v32;
	[tilespmem:v54+s15+$0x0] =	vst.idx.msk $0xffff, v40  }
0xe5: {  	v58 =	vadd.s32 v11, v32;
	[tilespmem:v44+s15+$0x0] =	vst.idx.msk $0xffff, v41  }
0xe6: {  	v59 =	vadd.s32 v12, v32;
	[tilespmem:v46+s15+$0x0] =	vst.idx.msk $0xffff, v42  }
0xe7: {  	v60 =	vadd.s32 v13, v32;
	[tilespmem:v55+s15+$0x0] =	vst.idx.msk $0xffff, v43  }
0xe8: {  	v61 =	vadd.s32 v14, v32;
	[tilespmem:v56+s15+$0x0] =	vst.idx.msk $0xffff, v45  }
0xe9: {  	v62 =	vadd.s32 v15, v32;
	[tilespmem:v57+s15+$0x0] =	vst.idx.msk $0xffff, v47  }
0xea: {  	[tilespmem:v58+s15+$0x0] =	vst.idx.msk $0xffff, v49  }
0xeb: {  	[tilespmem:v59+s15+$0x0] =	vst.idx.msk $0xffff, v51  }
0xec: {  	[tilespmem:v60+s15+$0x0] =	vst.idx.msk $0xffff, v53  }
0xed: {  	[tilespmem:v61+s15+$0x0] =	vst.idx.msk $0xffff, v34  }
0xee: {  	[tilespmem:v62+s15+$0x0] =	vst.idx.msk $0xffff, v33  }
0xef: {  	v34 =	vld [tilespmem:s22+$0xC4E0]  }
0xf0: {  	v45 =	vld [tilespmem:s22+$0x9920]  }
0xf1: {  	v36 =	vld [tilespmem:s22+$0xB860]  }
0xf2: {  	v35 =	vld [tilespmem:s22+$0xBEA0]  }
0xf3: {  	v38 =	vld [tilespmem:s22+$0xABE0]  }
0xf4: {  	v40 =	vld [tilespmem:s22+$0xA8C0]  }
0xf5: {  	v42 =	vld [tilespmem:s22+$0xA5A0]  }
0xf6: {  	v44 =	vld [tilespmem:s22+$0xA280]  }
0xf7: {  	v46 =	vld [tilespmem:s22+$0x9F60]  }
0xf8: {  	v48 =	vld [tilespmem:s22+$0x9C40]  }
0xf9: {  	v63 =	vadd.s32 v16, v32;
	v55 =	vld [tilespmem:s22+$0x9600]  }
0xfa: {  	v37 =	vld [tilespmem:s22+$0xC1C0]  }
0xfb: {  	v54 =	vadd.s32 v17, v32;
	v39 =	vld [tilespmem:s22+$0xBB80]  }
0xfc: {  	v53 =	vadd.s32 v18, v32;
	v41 =	vld [tilespmem:s22+$0xB540]  }
0xfd: {  	v50 =	vadd.s32 v20, v32;
	v52 =	vadd.s32 v19, v32;
	v49 =	vadd.s32 v22, v32;
	v43 =	vld [tilespmem:s22+$0xB220]  }
0xfe: {  	v51 =	vadd.s32 v21, v32;
	v33 =	vadd.s32 v23, v32;
	v47 =	vld [tilespmem:s22+$0xAF00];
	s22 =	simm.s32 $0x40;
	[tilespmem:v63+s15+$0x0] =	vst.idx.msk $0xffff, v55  }
.LBB2_10:
0xff: {  	p0 =	sne.s32 s22, $0xC40  }
0x100: {  	[tilespmem:v54+s15+$0x0] =	vst.idx.msk $0xffff, v45;
	s21 =	sadd.s32 $0x10, s21;
	s23 =	smov.u32 s22;
	s22 =	sadd.s32 $0x40, s22  }
0x101: {  	v45 =	vadd.s32 v24, v32;
	[tilespmem:v53+s15+$0x0] =	vst.idx.msk $0xffff, v48  }
0x102: {  	[tilespmem:v52+s15+$0x0] =	vst.idx.msk $0xffff, v46;
	v46 =	vadd.s32 v25, v32  }
0x103: {  	[tilespmem:v50+s15+$0x0] =	vst.idx.msk $0xffff, v44;
	v44 =	vadd.s32 v26, v32  }
0x104: {  	[tilespmem:v51+s15+$0x0] =	vst.idx.msk $0xffff, v42;
	v42 =	vadd.s32 v27, v32  }
0x105: {  	[tilespmem:v49+s15+$0x0] =	vst.idx.msk $0xffff, v40;
	v40 =	vadd.s32 v28, v32  }
0x106: {  	[tilespmem:v33+s15+$0x0] =	vst.idx.msk $0xffff, v38;
	v33 =	vadd.s32 v29, v32  }
0x107: {  	v38 =	vadd.s32 v30, v32;
	[tilespmem:v45+s15+$0x0] =	vst.idx.msk $0xffff, v47  }
0x108: {  	v32 =	vadd.s32 v31, v32;
	[tilespmem:v46+s15+$0x0] =	vst.idx.msk $0xffff, v43  }
0x109: {  	[tilespmem:v44+s15+$0x0] =	vst.idx.msk $0xffff, v41  }
0x10a: {  	[tilespmem:v42+s15+$0x0] =	vst.idx.msk $0xffff, v36  }
0x10b: {  	[tilespmem:v40+s15+$0x0] =	vst.idx.msk $0xffff, v39  }
0x10c: {  	[tilespmem:v33+s15+$0x0] =	vst.idx.msk $0xffff, v35  }
0x10d: {  	[tilespmem:v38+s15+$0x0] =	vst.idx.msk $0xffff, v37  }
0x10e: {  	s23 =	sshra.s32 s23, $0x2;
	[tilespmem:v32+s15+$0x0] =	vst.idx.msk $0xffff, v34  }
0x10f: {  	v34 =	vld [tilespmem:s23+$0x92E0]  }
0x110: {  	v35 =	vld [tilespmem:s23+$0x8FC0]  }
0x111: {  	v36 =	vld [tilespmem:s23+$0x7080]  }
0x112: {  	v32 =	vmov s21;
	v37 =	vld [tilespmem:s23+$0x6D60]  }
0x113: {  	v32 =	vmul.u32 $0x28, v32;
	v38 =	vld [tilespmem:s23+$0x6A40]  }
0x114: {  	v39 =	vld [tilespmem:s23+$0x6720]  }
0x115: {  	v32 =	vbroadcast v32, $0x0;
	v40 =	vld [tilespmem:s23+$0x6400]  }
0x116: {  	v41 =	vld [tilespmem:s23+$0x73A0]  }
0x117: {  	v43 =	vadd.s32 v0, v32;
	v33 =	vadd.s32 v23, v32;
	v42 =	vld [tilespmem:s23+$0x76C0]  }
0x118: {  	v45 =	vadd.s32 v1, v32;
	v44 =	vld [tilespmem:s23+$0x79E0]  }
0x119: {  	v47 =	vadd.s32 v2, v32;
	v46 =	vld [tilespmem:s23+$0x7D00]  }
0x11a: {  	v49 =	vadd.s32 v3, v32;
	v48 =	vld [tilespmem:s23+$0x8020]  }
0x11b: {  	v51 =	vadd.s32 v4, v32;
	v50 =	vld [tilespmem:s23+$0x8340]  }
0x11c: {  	v53 =	vadd.s32 v5, v32;
	v52 =	vld [tilespmem:s23+$0x8660]  }
0x11d: {  	v55 =	vadd.s32 v6, v32;
	v54 =	vld [tilespmem:s23+$0x8980]  }
0x11e: {  	v57 =	vadd.s32 v7, v32;
	v56 =	vld [tilespmem:s23+$0x8CA0]  }
0x11f: {  	[tilespmem:v43+s15+$0x0] =	vst.idx.msk $0xffff, v40;
	v40 =	vadd.s32 v8, v32  }
0x120: {  	[tilespmem:v45+s15+$0x0] =	vst.idx.msk $0xffff, v39;
	v39 =	vadd.s32 v9, v32  }
0x121: {  	[tilespmem:v47+s15+$0x0] =	vst.idx.msk $0xffff, v38;
	v38 =	vadd.s32 v10, v32  }
0x122: {  	[tilespmem:v49+s15+$0x0] =	vst.idx.msk $0xffff, v37;
	v37 =	vadd.s32 v11, v32  }
0x123: {  	[tilespmem:v51+s15+$0x0] =	vst.idx.msk $0xffff, v36;
	v36 =	vadd.s32 v12, v32  }
0x124: {  	[tilespmem:v53+s15+$0x0] =	vst.idx.msk $0xffff, v41;
	v41 =	vadd.s32 v13, v32  }
0x125: {  	[tilespmem:v55+s15+$0x0] =	vst.idx.msk $0xffff, v42;
	v42 =	vadd.s32 v14, v32  }
0x126: {  	[tilespmem:v57+s15+$0x0] =	vst.idx.msk $0xffff, v44  }
0x127: {  	[tilespmem:v40+s15+$0x0] =	vst.idx.msk $0xffff, v46  }
0x128: {  	[tilespmem:v39+s15+$0x0] =	vst.idx.msk $0xffff, v48  }
0x129: {  	[tilespmem:v38+s15+$0x0] =	vst.idx.msk $0xffff, v50;
	v38 =	vadd.s32 v15, v32  }
0x12a: {  	[tilespmem:v37+s15+$0x0] =	vst.idx.msk $0xffff, v52  }
0x12b: {  	[tilespmem:v36+s15+$0x0] =	vst.idx.msk $0xffff, v54  }
0x12c: {  	[tilespmem:v41+s15+$0x0] =	vst.idx.msk $0xffff, v56  }
0x12d: {  	[tilespmem:v42+s15+$0x0] =	vst.idx.msk $0xffff, v35  }
0x12e: {  	[tilespmem:v38+s15+$0x0] =	vst.idx.msk $0xffff, v34  }
0x12f: {  	v34 =	vld [tilespmem:s23+$0xC4E0]  }
0x130: {  	v45 =	vld [tilespmem:s23+$0x9920]  }
0x131: {  	v36 =	vld [tilespmem:s23+$0xB860]  }
0x132: {  	v35 =	vld [tilespmem:s23+$0xBEA0]  }
0x133: {  	v38 =	vld [tilespmem:s23+$0xABE0]  }
0x134: {  	v40 =	vld [tilespmem:s23+$0xA8C0]  }
0x135: {  	v42 =	vld [tilespmem:s23+$0xA5A0]  }
0x136: {  	v44 =	vld [tilespmem:s23+$0xA280]  }
0x137: {  	v46 =	vld [tilespmem:s23+$0x9F60]  }
0x138: {  	v48 =	vld [tilespmem:s23+$0x9C40]  }
0x139: {  	v49 =	vadd.s32 v16, v32;
	v37 =	vld [tilespmem:s23+$0xC1C0]  }
0x13a: {  	v54 =	vadd.s32 v17, v32;
	v55 =	vld [tilespmem:s23+$0x9600]  }
.Ltmp8:
0x13b: {  	v53 =	vadd.s32 v18, v32;
	v39 =	vld [tilespmem:s23+$0xBB80];
	(pc) =	sbr.rel @p0 .LBB2_10-.Ltmp8, $4  }
0x13c: {  	v52 =	vadd.s32 v19, v32;
	v41 =	vld [tilespmem:s23+$0xB540]  }
0x13d: {  	v50 =	vadd.s32 v20, v32;
	v43 =	vld [tilespmem:s23+$0xB220]  }
0x13e: {  	v51 =	vadd.s32 v21, v32;
	v47 =	vld [tilespmem:s23+$0xAF00]  }
0x13f: {  	[tilespmem:v49+s15+$0x0] =	vst.idx.msk $0xffff, v55;
	v49 =	vadd.s32 v22, v32  }
0x140: {  	s21 =	smul.u32 $0x625, s20;
	_ =	sdelay $0x1  }
0x141: {  	s21 =	sshrl.u32 s21, $0x10  }
0x142: {  	s22 =	ssub.s32 s20, s21  }
0x143: {  	s22 =	sand.u32 $0xFFFE, s22  }
0x144: {  	[tilespmem:v54+s15+$0x0] =	vst.idx.msk $0xffff, v45;
	s22 =	sshrl.u32 s22, $0x1  }
0x145: {  	[tilespmem:v53+s15+$0x0] =	vst.idx.msk $0xffff, v48;
	s21 =	sadd.s32 s21, s22  }
0x146: {  	v56 =	vadd.s32 v24, v32;
	[tilespmem:v52+s15+$0x0] =	vst.idx.msk $0xffff, v46;
	s21 =	sand.u32 $0xFFC0, s21  }
0x147: {  	v57 =	vadd.s32 v25, v32;
	[tilespmem:v50+s15+$0x0] =	vst.idx.msk $0xffff, v44;
	s21 =	sshrl.u32 s21, $0x6  }
0x148: {  	v58 =	vadd.s32 v26, v32;
	[tilespmem:v51+s15+$0x0] =	vst.idx.msk $0xffff, v42;
	s30 =	smul.u32 $0x7D, s21  }
0x149: {  	v59 =	vadd.s32 v27, v32;
	[tilespmem:v49+s15+$0x0] =	vst.idx.msk $0xffff, v40  }
0x14a: {  	v60 =	vadd.s32 v28, v32;
	[tilespmem:v33+s15+$0x0] =	vst.idx.msk $0xffff, v38;
	s31 =	ssub.s32 s20, s30  }
0x14b: {  	v61 =	vadd.s32 v29, v32;
	[tilespmem:v56+s15+$0x0] =	vst.idx.msk $0xffff, v47;
	s21 =	smul.u32 $0x186A0, s21;
	s20 =	sand.u32 $0xFFFF, s31  }
0x14c: {  	v62 =	vadd.s32 v30, v32;
	[tilespmem:v57+s15+$0x0] =	vst.idx.msk $0xffff, v43;
	s20 =	smul.u32 $0x320, s20  }
0x14d: {  	v63 =	vadd.s32 v31, v32;
	[tilespmem:v58+s15+$0x0] =	vst.idx.msk $0xffff, v41  }
0x14e: {  	[tilespmem:v59+s15+$0x0] =	vst.idx.msk $0xffff, v36;
	s20 =	sadd.s32 s20, s21  }
0x14f: {  	[tilespmem:v60+s15+$0x0] =	vst.idx.msk $0xffff, v39;
	s20 =	sshll.u32 s20, $0x2  }
0x150: {  	[tilespmem:v61+s15+$0x0] =	vst.idx.msk $0xffff, v35;
	s20 =	sand.u32 $0x1FFFFF80, s20  }
0x151: {  	s23 =	simm.s32 $0x14528;
	[tilespmem:v62+s15+$0x0] =	vst.idx.msk $0xffff, v37;
	s20 =	sadd.s32 s5, s20  }
0x152: {  	s22 =	simm.s32 $0x4;
	[tilespmem:v63+s15+$0x0] =	vst.idx.msk $0xffff, v34;
	s21 =	simm.s32 $0x14500;
	s24 =	sadd.s32 $0x0, s20  }
.LBB2_12:
0x153: {  	[hbm4b:s24+s4] =	stream.linear.scatter [tilespmem:s21], [sflag:$0x4], $0x20, $0x38;
	[tilespmem:$0x1C200] =	vst v63  }
0x154: {  	s24 =	smov.u32 s22;
	s21 =	smov.u32 s23;
	p0 =	sne.s32 s22, $0xC7C  }
.Ltmp9:
0x155: {  	s22 =	sadd.s32 $0x4, s22;
	(pc) =	sbr.rel @p0 .LBB2_12-.Ltmp9, $2  }
0x156: {  	_ =	sdelay $0x2  }
0x157: {  	s23 =	sadd.s32 $0x28, s23;
	s24 =	sadd.s32 s24, s20  }
.Ltmp10:
0x158: {  	(pc) =	sbr.rel .LBB2_14-.Ltmp10, $2  }
0x159: {  	_ =	sdelay $0x2  }
0x15a: {  	[hbm4b:s24+s4] =	stream.linear.scatter [tilespmem:s21], [sflag:$0x4], $0x20, $0x38;
	[tilespmem:$0x1C200] =	vst v63  }
.LBB2_16:
0x15b: {  	_ =	sfence.sel $0x180000  }
0x15c: {  	[bflag:$0x0] =	sbarrier.arrive $0xFFFF  }
0x15d: {  	p0 =	sne.s32 s0, $0x0;
	_ =	strace $0x90000047  }
0x15e: {  	s0 =	sadd.s32 @!p0 $0x100000, s3;
	[bflag:$0x2] =	sbarrier.arrive $0xFFFF  }
0x15f: {  	[sflag:s0] =	ssyncadd.tile.s32 @!p0 $0x1;
	_ =	shalt  }
.Lfunc_end2:
_tile_overlayer_lowered:
.L_overlay_start_2:
0x160: {  	(tag) =	ssettag $0x2  }
0x161: {  	s0 =	rddreg [dreg:$0x0];
	s2 =	stileid.u32  }
0x162: {  	s1 =	rddreg [dreg:$0x1];
	p0 =	sne.s32 s2, $0x0  }
0x163: {  	s3 =	rddreg [dreg:$0x2];
	[bflag:$0x3] =	sbarrier.arrive $0xFFFF;
	s2 =	simm.s32 @!p0 $0x1C05  }
0x164: {  	[timem:s3], [sflag:s2] =	dma.local @!p0 [hbm:s0], s1  }
0x165: {  	s0 =	simm.s32 @!p0 $0x5  }
0x166: {  	_ =	swait.ge @!p0 [sflag:s0], s1  }
0x167: {  	s1 =	ssub.s32 @!p0 $0x0, s1;
	[sflag:s0] =	ssyncset.done @!p0 $0x0  }
0x168: {  	[sflag:s0] =	ssyncadd.s32 @!p0 s1  }
0x169: {  	[bflag:$0x3] =	sbarrier.arrive $0xFFFF  }
0x16a: {  	_ =	shalt  }

// kernel: sparse-core-data-format-call.cloned.1.call-start
scs
called_computation_lowered:
.L_overlay_start_0:
0x0: {  	s2 =	sld [smem:$0x3FD9]  }
0x1: {  	s3 =	sld [smem:$0x3FFE];
	_ =	sdelay $0x1  }
0x2: {  	s1 =	srdreg.scid  }
0x3: {  	s0 =	sand.u32 $0x1, s1  }
0x4: {  	s18 =	sshll.u32 s0, $0xA;
	s2 =	sadd.s32 s3, s2  }
0x5: {  	s2 =	sadd.s32 s2, s18  }
0x6: {  	[smem:$0x3FC7] =	sst s2  }
0x7: {  	_ = 	snop  }
0x8: {  	s2 =	sld [smem:$0x3FD0];
	(tm) =	ssettm $0x1  }
0x9: {  	s19 =	sld [smem:$0x3FFB];
	_ =	sdelay $0x3  }
0xa: {  	_ =	strace s19  }
0xb: {  	s3 =	sld [smem:$0x3FFC];
	_ =	sdelay $0x3  }
0xc: {  	_ =	strace s3  }
0xd: {  	s3 =	sld [smem:$0x3FFD];
	_ =	sdelay $0x3  }
0xe: {  	_ =	strace s3  }
0xf: {  	_ =	strace $0x8FFFFFFF  }
0x10: {  	s20 =	sld [smem:$0x3FDB];
	_ =	sdelay $0x1  }
0x11: {  	s4 =	simm.s32 $_scs_section_size  }
0x12: {  	s5 =	simm.s32 $_size__tile_overlayer_lowered;
	s6 =	simm.s32 $_tile_overlayer_lowered  }
0x13: {  	s23 =	simm.s32 $0x1BFF;
	s22 =	sshll.u32 s6, $0x1;
	s3 =	sadd.s32 s4, s20  }
0x14: {  	s7 =	simm.s32 $0x0;
	s21 =	sshll.u32 s5, $0x1;
	s5 =	sadd.s32 s22, s3  }
0x15: {  	[timem:s7], [sflag:s23] =	dma.local [hbm:s5], s21  }
0x16: {  	_ =	swait.ge [sflag:s23], s21  }
0x17: {  	s4 =	ssub.s32 $0x0, s21;
	[sflag:s23] =	ssyncset.done $0x0  }
0x18: {  	[sflag:s23] =	ssyncadd.s32 s4;
	_ =	sdelay $0x1  }
0x19: {  	s24 =	simm.s32 $0x1B8B  }
0x1a: {  	_ =	swait.ge [sflag:s24], $0x1  }
0x1b: {  	[sflag:s24] =	ssyncset.done $0x0  }
0x1c: {  	s26 =	simm.s32 $0x1B8E;
	s25 =	sld [smem:$0x3FFE];
	[sflag:s24] =	ssyncadd.s32 $0xFFFFFFFF  }
0x1d: {  	s27 =	simm.s32 $execute0_lowered;
	[smem:$0x3FD2] =	sst s26  }
0x1e: {  	s5 =	sshll.u32 s27, $0x1;
	_ =	strace $0x80000049;
	[dreg:$0x1] =	wrdreg $0xFFFFFFFF  }
0x1f: {  	s28 =	simm.s32 $_size_execute0_lowered;
	s3 =	sadd.s32 s3, s5;
	[dreg:$0x0] =	wrdreg $0x0  }
0x20: {  	s5 =	sshll.u32 s28, $0x1;
	[dreg:$0x2] =	wrdreg s3  }
0x21: {  	[dreg:$0x3] =	wrdreg s5  }
0x22: {  	[dreg:$0x4] =	wrdreg $0xC0  }
0x23: {  	_ =	task [dreg:s7], $0x5FFFF  }
0x24: {  	[dreg:$0x1] =	wrdreg $0xFFFFFFFF  }
0x25: {  	[dreg:$0x0] =	wrdreg $0x60  }
0x26: {  	[dreg:$0x2] =	wrdreg s25  }
0x27: {  	[dreg:$0x3] =	wrdreg s2  }
0x28: {  	[dreg:$0x4] =	wrdreg $0x9  }
0x29: {  	_ =	task.clear_ibuf [dreg:s7], $0x5FFFF;
	_ =	strace $0x90000049  }
0x2a: {  	s29 =	simm.s32 $0x9;
	_ =	strace $0x8000004B  }
0x2b: {  	_ =	swait.ge [sflag:s29], $0x1  }
0x2c: {  	[sflag:s29] =	ssyncadd.s32 $0xFFFFFFFF  }
0x2d: {  	_ =	strace $0x9000004B  }
0x2e: {  	_ =	sfence  }
0x2f: {  	s30 =	sld [smem:$0x0];
	_ =	sdelay $0x2  }
0x30: {  	s31 =	sshll.u32 s1, $0xD;
	s1 =	sshrl.u32 s1, $0x2  }
0x31: {  	s3 =	sand.u32 $0x4000, s31;
	s1 =	sadd.s32 s1, s30  }
0x32: {  	s0 =	sor.u32 s3, s0;
	s1 =	sshll.u32 s1, $0x11  }
0x33: {  	s0 =	sor.u32 s1, s0  }
0x34: {  	s0 =	sadd.s32 $0x8F2B, s0  }
0x35: {  	[sflag:s0] =	ssyncadd.remote.s32 $0x1  }
0x36: {  	_ =	sfence.sel $0xFFFF  }
0x37: {  	[dreg:$0x0] =	wrdreg $0xFFFFFFFF;
	(pc) =	sbr.abs _section_cstart, $3  }
0x38: {  	[dreg:$0x1] =	wrdreg $0xFFFFFFFF  }
0x39: {  	_ =	task.clear_ibuf [dreg:s7], $0x2FFFF;
	_ =	strace $0x9FFFFFFF  }
0x3a: {  	(tm) =	ssettm $0x7FFFFFFF  }
0x3b: {  	_ =	shalt  }
tec
execute0_lowered:
.L_overlay_start_1:
0x0: {  	(tag) =	ssettag $0x1  }
0x1: {  	s4 =	rddreg [dreg:$0x0]  }
0x2: {  	s0 =	srdreg.scid;
	s2 =	rddreg [dreg:$0x1]  }
0x3: {  	s1 =	stileid.u32;
	s5 =	simm.s32 $0x1;
	s0 =	sshll.u32 s0, $0x4  }
0x4: {  	s7 =	simm.s32 $0x2;
	s11 =	simm.s32 $0x0;
	s3 =	sand.u32 $0x10, s0  }
.Ltmp0:
0x5: {  	p0 =	por $0x0, $0x0;
	s3 =	sor.u32 s1, s3;
	(pc) =	sbr.rel .LBB1_1-.Ltmp0, $4  }
0x6: {  	s8 =	simm.s32 $0x13D6400;
	s10 =	simm.s32 $0x0;
	s3 =	sshll.u32 s3, $0x7  }
0x7: {  	s0 =	rddreg [dreg:$0x2];
	_ =	strace $0x8000004A;
	s6 =	ssub.s32 $0x27AC00, s3  }
0x8: {  	s4 =	sadd.s32 $0x9EBA00, s4;
	[sflag:s5] =	ssyncpa.u1 $0x0;
	s6 =	sshrl.u32 s6, $0xC  }
0x9: {  	[sflag:s7] =	ssyncpa.u1 $0x0;
	s9 =	smov.u32 s3;
	s7 =	sadd.s32 $0x2, s6  }
.LBB1_5:
0xa: {  	s13 =	sadd.s32 $0x1000, s9  }
0xb: {  	p2 =	sgt.s32 s13, $0x27AC3F  }
0xc: {  	s13 =	smov.u32 @p2 s3;
	p2 =	sne.s32 s10, s7  }
.Ltmp1:
0xd: {  	p1 =	slt.u32 s10, $0x2;
	(pc) =	sbr.rel @!p2 .LBB1_6-.Ltmp1, $4  }
0xe: {  	s12 =	simm.s32 @!p1 $0x2  }
0xf: {  	s14 =	sadd.s32 $0x1, s10;
	_ =	swait.ge @!p1 [sflag:s12], $0x1000  }
0x10: {  	s11 =	smov.u32 s9;
	p0 =	por !p0, !p0;
	[sflag:s12] =	ssyncset.done @!p1 $0x0  }
0x11: {  	s10 =	smov.u32 s14;
	s9 =	smov.u32 s13;
	[sflag:s12] =	ssyncadd.s32 @!p1 $0xFFFFF000  }
.LBB1_1:
0x12: {  	p1 =	sgt.u32 s10, s6  }
0x13: {  	s13 =	smov.u32 s9;
	p2 =	sgt.s32 @!p1 s9, $0x27ABC0  }
0x14: {  	s12 =	sand.u32 @!p1 $0x1FFFFFF, s9;
	s14 =	sshra.s32 @!p1 s9, $0x1F;
	p2 =	por !p2, p1  }
0x15: {  	s15 =	smulhi.u32 @!p1 $0xCE7D23, s12;
	s14 =	sand.u32 @!p1 s14, s9;
	s13 =	simm.s32 @p2 $0x27ABC0  }
0x16: {  	s13 =	ssub.s32 @!p1 s13, s14  }
0x17: {  	s14 =	sshrl.u32 @!p1 s15, $0xD;
	s13 =	sadd.s32 @!p1 $0xFFD85440, s13  }
0x18: {  	s15 =	sxor.u32 @!p1 $0xFFFFFFFF, s10;
	s14 =	smul.u32 @!p1 $0x27AC40, s14;
	s16 =	sshll.u32 @!p1 s13, $0x7  }
0x19: {  	s15 =	sshll.u32 @!p1 s15, $0xC;
	p2 =	sgt.s32 @!p1 s13, $0x7F;
	s13 =	ssub.s32 @!p1 $0x4000, s16  }
0x1a: {  	s12 =	ssub.s32 @!p1 s12, s14;
	p2 =	por !p2, p1;
	s14 =	sand.u32 @!p1 $0x1000, s15  }
0x1b: {  	s15 =	simm.s32 @!p1 $0x20;
	s13 =	sshrl.u32 @!p1 s13, $0x2;
	s12 =	sshll.u32 @!p1 s12, $0x4  }
0x1c: {  	s16 =	simm.s32 @!p1 $0x80;
	s13 =	simm.s32 @!p2 $0x0;
	s12 =	sadd.s32 @!p1 s4, s12  }
0x1d: {  	[tilespmem:s14], [sflag:$0x1] =	stream.strided.gather @!p1 [hbm4b:s12+s15], s13, s16, s15, $0x38;
	[tilespmem:$0x4040] =	vst v63  }
0x1e: {  	p1 =	seq.s32 s10, $0x0  }
0x1f: {  	p2 =	sge.u32 @!p1 s10, s7  }
0x20: {  	p1 =	por p1, p2  }
.Ltmp2:
0x21: {  	_ = 	snop;
	(pc) =	sbr.rel @p1 .LBB1_5-.Ltmp2, $1  }
0x22: {  	_ =	sdelay $0x3  }
0x23: {  	p1 =	sgt.s32 s11, $0x27ABC0;
	s12 =	smov.u32 s11;
	s13 =	sshra.s32 s11, $0x1F  }
0x24: {  	s12 =	simm.s32 @!p1 $0x27ABC0;
	s13 =	sand.u32 s13, s11  }
0x25: {  	s12 =	ssub.s32 s12, s13  }
0x26: {  	s12 =	sadd.s32 $0xFFD85440, s12  }
0x27: {  	s28 =	sshll.u32 s12, $0x7  }
0x28: {  	s13 =	ssub.s32 $0x4000, s28  }
0x29: {  	p1 =	sgt.s32 s12, $0x7F;
	s12 =	sshrl.u32 s13, $0x2  }
0x2a: {  	s13 =	simm.s32 $0x1;
	s12 =	simm.s32 @p1 $0x0  }
0x2b: {  	s13 =	simm.s32 @!p0 $0x0;
	_ =	swait.ge [sflag:s5], s12  }
0x2c: {  	s14 =	sshll.u32 s13, $0xC;
	s12 =	ssub.s32 $0x0, s12;
	[sflag:s5] =	ssyncset.done $0x0  }
0x2d: {  	s16 =	sor.u32 $0x10, s14;
	[sflag:s5] =	ssyncadd.s32 s12  }
0x2e: {  	s29 =	smul.u32 $0x4080, s13;
	v1 =	vld [tilespmem:s16+$0x0]  }
0x2f: {  	s30 =	sand.u32 $0x1, s10;
	v0 =	vld [tilespmem:s16+$0xFFFFFFF0]  }
0x30: {  	s13 =	smul.u32 $0x4080, s30;
	s12 =	sshrl.u32 s29, $0x2  }
0x31: {  	s14 =	sor.u32 $0x2000, s12  }
0x32: {  	s31 =	sshrl.u32 s13, $0x2;
	s13 =	sadd.s32 $0x0, s14  }
0x33: {  	s15 =	simm.s32 $0x4;
	s12 =	sor.u32 $0x2000, s31;
	s16 =	sadd.s32 $0x20, s16;
	[tilespmem:s13+$0x810 ss:$0x81] =	vst.msk $0xffff, v1  }
.LBB1_3:
0x34: {  	v1 =	vld [tilespmem:s16+$0x0];
	p1 =	sne.s32 s15, $0x1FC;
	[tilespmem:s13+$0x0 ss:$0x81] =	vst.msk $0xffff, v0;
	s13 =	smov.u32 s15;
	s15 =	sadd.s32 $0x4, s15  }
.Ltmp3:
0x35: {  	v0 =	vld [tilespmem:s16+$0xFFFFFFF0];
	(pc) =	sbr.rel @p1 .LBB1_3-.Ltmp3, $4  }
0x36: {  	_ = 	snop  }
0x37: {  	s13 =	sshra.s32 s13, $0x2  }
0x38: {  	s13 =	sadd.s32 s13, s14  }
0x39: {  	s16 =	sadd.s32 $0x20, s16;
	[tilespmem:s13+$0x810 ss:$0x81] =	vst.msk $0xffff, v1  }
0x3a: {  	s14 =	sshll.u32 s11, $0x3  }
0x3b: {  	s30 =	sand.u32 $0x7F, s11;
	s14 =	sand.u32 $0xFFFFFC00, s14  }
0x3c: {  	s11 =	sor.u32 s30, s14  }
0x3d: {  	s15 =	smulhi.u32 $0xCE7BD5B5, s11;
	_ =	sdelay $0x1  }
0x3e: {  	s14 =	smulhi.u32 $0xCE7BD5B5, s14;
	s15 =	sshrl.u32 s15, $0x15  }
0x3f: {  	s15 =	smul.u32 $0x27AC80, s15  }
0x40: {  	s14 =	sshrl.u32 s14, $0x15  }
.Ltmp4:
0x41: {  	s14 =	sand.u32 $0x1F, s14;
	s11 =	ssub.s32 s11, s15;
	(pc) =	sbr.rel .LBB1_5-.Ltmp4, $4  }
0x42: {  	s14 =	smul.u32 $0x4F590, s14;
	s15 =	sshrl.u32 s11, $0x3;
	s11 =	sand.u32 $0x7, s11  }
0x43: {  	s15 =	sadd.s32 s2, s15;
	s11 =	sshll.u32 s11, $0x12  }
0x44: {  	[tilespmem:s13+$0x0 ss:$0x81] =	vst.msk $0xffff, v0;
	s31 =	sadd.s32 s14, s15;
	s11 =	sor.u32 $0x400, s11  }
0x45: {  	[hbm4b:s31+s11] =	stream.strided.scatter [tilespmem:s12], [sflag:$0x2], $0x1000, s8, s11, $0x20;
	[tilespmem:$0x4040] =	vst v63  }
.LBB1_6:
0x46: {  	_ =	sfence.sel $0x180000  }
0x47: {  	s2 =	simm.s32 $0x1;
	[bflag:$0x0] =	sbarrier.arrive $0xFFFF  }
0x48: {  	s31 =	simm.s32 $0x2;
	[sflag:s2] =	ssyncpa.u1 $0x1  }
0x49: {  	[sflag:s31] =	ssyncpa.u1 $0x1  }
0x4a: {  	p0 =	sne.s32 s1, $0x0;
	_ =	strace $0x9000004A  }
0x4b: {  	s0 =	sadd.s32 @!p0 $0x100000, s0;
	[bflag:$0x2] =	sbarrier.arrive $0xFFFF  }
0x4c: {  	[sflag:s0] =	ssyncadd.tile.s32 @!p0 $0x1;
	_ =	shalt  }
.Lfunc_end1:
_tile_overlayer_lowered:
.L_overlay_start_2:
0x4d: {  	(tag) =	ssettag $0x2  }
0x4e: {  	s0 =	rddreg [dreg:$0x0];
	s2 =	stileid.u32  }
0x4f: {  	s1 =	rddreg [dreg:$0x1];
	p0 =	sne.s32 s2, $0x0  }
0x50: {  	s3 =	rddreg [dreg:$0x2];
	[bflag:$0x3] =	sbarrier.arrive $0xFFFF;
	s2 =	simm.s32 @!p0 $0x1C01  }
0x51: {  	[timem:s3], [sflag:s2] =	dma.local @!p0 [hbm:s0], s1  }
0x52: {  	s0 =	simm.s32 @!p0 $0x1  }
0x53: {  	_ =	swait.ge @!p0 [sflag:s0], s1  }
0x54: {  	s1 =	ssub.s32 @!p0 $0x0, s1;
	[sflag:s0] =	ssyncset.done @!p0 $0x0  }
0x55: {  	[sflag:s0] =	ssyncadd.s32 @!p0 s1  }
0x56: {  	[bflag:$0x3] =	sbarrier.arrive $0xFFFF  }
0x57: {  	_ =	shalt  }

</sc_bundles>
